<compile_context>
chip_gen: v7x
topology: tpu7x:2x2x1
jax: 0.10.2.dev20260603
libtpu: 0.0.44.dev20260713+nightly
codegen_flags: <defaults>
</compile_context>

<pallas_src>
import functools

import jax
import jax.numpy as jnp
from jax import lax
from jax.experimental import pallas as pl
from jax.experimental.pallas import tpu as pltpu
from jax.experimental.pallas import tpu_sc as plsc

_N = 10000
_D = 128
_L = 5
_E = 320000

_NC = 2
_NS = 16
_NW = _NC * _NS
_EDGE_B = 80
_ITERS = 125
_PER_W = _E // _NW
_ROWS_MAIN = 632
_ROWS_LAST = _N - 15 * _ROWS_MAIN

_mesh = plsc.VectorSubcoreMesh(core_axis_name="c", subcore_axis_name="s")


@functools.partial(
    pl.kernel,
    out_type=jax.ShapeDtypeStruct((_NC, _N, _D), jnp.float32),
    mesh=_mesh,
    scratch_types=[
        pltpu.VMEM((_PER_W,), jnp.int32),
        pltpu.VMEM((_PER_W,), jnp.int32),
        pltpu.VMEM((_EDGE_B, _D), jnp.float32),
        pltpu.VMEM((_EDGE_B, _D), jnp.float32),
        pltpu.VMEM((_EDGE_B, _D), jnp.float32),
        pltpu.VMEM_SHARED((_N, _D), jnp.float32),
        pltpu.SemaphoreType.DMA,
        pltpu.SemaphoreType.DMA,
        pltpu.SemaphoreType.DMA,
        pltpu.SemaphoreType.DMA,
        pltpu.SemaphoreType.DMA,
        pltpu.SemaphoreType.DMA,
    ],
)
def _sc_aggregate(x_hbm, edge_hbm, zeros_hbm, out_hbm,
                  src_v, dst_v, rows0, rows1, rows2, acc_sh,
                  gs0, gs1, gs2, ss0, ss1, ss2):
    c = lax.axis_index("c")
    s = lax.axis_index("s")
    wid = s * _NC + c
    row0 = s * _ROWS_MAIN

    @pl.when(s < _NS - 1)
    def _():
        pltpu.sync_copy(zeros_hbm, acc_sh.at[pl.ds(row0, _ROWS_MAIN)])

    @pl.when(s == _NS - 1)
    def _():
        pltpu.sync_copy(zeros_hbm.at[pl.ds(0, _ROWS_LAST)],
                        acc_sh.at[pl.ds(15 * _ROWS_MAIN, _ROWS_LAST)])

    plsc.subcore_barrier()

    pltpu.sync_copy(edge_hbm.at[pl.ds(wid * _PER_W, _PER_W)], src_v)
    pltpu.sync_copy(edge_hbm.at[pl.ds(_E + wid * _PER_W, _PER_W)], dst_v)

    def _g(j, buf, sem):
        return pltpu.async_copy(
            x_hbm.at[src_v.at[pl.ds(j * _EDGE_B, _EDGE_B)]], buf, sem)

    def _gw(j, buf, sem):
        pltpu.make_async_copy(
            x_hbm.at[src_v.at[pl.ds(j * _EDGE_B, _EDGE_B)]], buf, sem).wait()

    def _s(j, buf, sem):
        return pltpu.async_copy(
            buf, acc_sh.at[dst_v.at[pl.ds(j * _EDGE_B, _EDGE_B)]], sem,
            add=True)

    def _sw(j, buf, sem):
        pltpu.make_async_copy(
            buf, acc_sh.at[dst_v.at[pl.ds(j * _EDGE_B, _EDGE_B)]],
            sem).wait()

    _g(0, rows0, gs0)
    _g(1, rows1, gs1)

    @pl.loop(0, (_ITERS - 2) // 3)
    def _(k):
        j0 = k * 3
        _gw(j0, rows0, gs0)
        _s(j0, rows0, ss0)

        @pl.when(k > 0)
        def _():
            _sw(j0 - 1, rows2, ss2)

        _g(j0 + 2, rows2, gs2)
        _gw(j0 + 1, rows1, gs1)
        _s(j0 + 1, rows1, ss1)
        _sw(j0, rows0, ss0)
        _g(j0 + 3, rows0, gs0)
        _gw(j0 + 2, rows2, gs2)
        _s(j0 + 2, rows2, ss2)
        _sw(j0 + 1, rows1, ss1)
        _g(j0 + 4, rows1, gs1)

    _gw(_ITERS - 2, rows0, gs0)
    _s(_ITERS - 2, rows0, ss0)
    _sw(_ITERS - 3, rows2, ss2)
    _gw(_ITERS - 1, rows1, gs1)
    _s(_ITERS - 1, rows1, ss1)
    _sw(_ITERS - 2, rows0, ss0)
    _sw(_ITERS - 1, rows1, ss1)

    plsc.subcore_barrier()

    @pl.when(s < _NS - 1)
    def _():
        pltpu.sync_copy(acc_sh.at[pl.ds(row0, _ROWS_MAIN)],
                        out_hbm.at[c, pl.ds(row0, _ROWS_MAIN)])

    @pl.when(s == _NS - 1)
    def _():
        pltpu.sync_copy(acc_sh.at[pl.ds(15 * _ROWS_MAIN, _ROWS_LAST)],
                        out_hbm.at[c, pl.ds(15 * _ROWS_MAIN, _ROWS_LAST)])


def _mlp_body(x_ref, p_ref, w_ref, b_ref, g_ref, bt_ref, o_ref):
    h = x_ref[...] + p_ref[0] + p_ref[1]
    for i in range(_L - 1):
        h = jnp.dot(h, w_ref[i],
                    preferred_element_type=jnp.float32) + b_ref[i]
        mu = jnp.mean(h, axis=0)
        var = jnp.mean((h - mu) ** 2, axis=0)
        h = g_ref[i] * (h - mu) / jnp.sqrt(var + 1e-5) + bt_ref[i]
        h = jnp.maximum(h, 0.0)
    o_ref[...] = jnp.dot(h, w_ref[_L - 1],
                         preferred_element_type=jnp.float32) + b_ref[_L - 1]


def _mlp(x, partial, W, b, gamma, beta):
    return pl.pallas_call(
        _mlp_body,
        out_shape=jax.ShapeDtypeStruct((_N, _D), jnp.float32),
    )(x, partial, W, b, gamma, beta)


def kernel(x, edge_index, W, b, gamma, beta):
    edge_flat = edge_index.astype(jnp.int32).reshape(2 * _E)
    zeros = jnp.zeros((_ROWS_MAIN, _D), jnp.float32)
    partial = _sc_aggregate(x, edge_flat, zeros)
    return _mlp(x, partial, W, b, gamma, beta)

# --- scband reference (transcript-rebuilt; emitter-appended) ---
"""Pipeline reference for scband-ginconv-66142496358697 (READ-ONLY COPY).

The authoritative reference and input builder live on the scoring server;
editing this copy changes nothing except your own understanding.
"""

import jax, jax.numpy as jnp
import numpy as np

N = 10000
E = 320000
D = 128
L = 5

def setup_inputs(seed: int = 0):
    key = jax.random.key(seed)
    k1, k2, k3 = jax.random.split(key, 3)
    x = jax.random.normal(k1, (N, D), dtype=jnp.float32)
    edge_index = jax.random.randint(k2, (2, E), 0, N).astype(jnp.int64)
    W = jax.random.normal(k3, (L, D, D), dtype=jnp.float32) * (1.0 / np.sqrt(D))
    b = jnp.zeros((L, D), dtype=jnp.float32)
    gamma = jnp.ones((L - 1, D), dtype=jnp.float32)
    beta = jnp.zeros((L - 1, D), dtype=jnp.float32)
    return {"x": x, "edge_index": edge_index, "W": W, "b": b, "gamma": gamma, "beta": beta}

def _batch_norm(h, g, bta):
    # torch BatchNorm1d in training mode: biased batch statistics, eps=1e-5
    mu = jnp.mean(h, axis=0)
    var = jnp.var(h, axis=0)
    return g * (h - mu) / jnp.sqrt(var + 1e-5) + bta

def reference(x, edge_index, W, b, gamma, beta):
    # GINConv: out = MLP((1 + eps) * x + sum_{j in N(i)} x_j), eps = 0 (PyG default)
    src = edge_index[0]
    dst = edge_index[1]
    msgs = x[src]                                   # gather (SparseCore)
    agg = jax.ops.segment_sum(msgs, dst, num_segments=x.shape[0])  # scatter-add
    h = x + agg
    # PyG MLP(num_layers=5, norm=batch_norm, act=relu, plain_last=True)
    for i in range(L - 1):
        h = h @ W[i] + b[i]
        h = _batch_norm(h, gamma[i], beta[i])
        h = jax.nn.relu(h)
    h = h @ W[L - 1] + b[L - 1]
    return h

if __name__ == "__main__":
    import jax
    _d = setup_inputs()
    print(jax.jit(kernel)(*tuple(_d.values())))

</pallas_src>

<mosaic_0001>
#map = affine_map<(d0, d1) -> (0, 0)>
#map1 = affine_map<(d0, d1) -> (0)>
#map2 = affine_map<(d0, d1) -> (0, 0, 0)>
module attributes {stable_mosaic.version = 14 : i64} {
  func.func @_sc_aggregate(%arg0: i32, %arg1: i32, %arg2: memref<10000x128xf32, #tpu.memory_space<hbm>>, %arg3: memref<640000xi32, #tpu.memory_space<hbm>>, %arg4: memref<632x128xf32, #tpu.memory_space<hbm>>, %arg5: memref<2x10000x128xf32, #tpu.memory_space<hbm>>, %arg6: memref<10000xi32, #tpu.memory_space<vmem>>, %arg7: memref<10000xi32, #tpu.memory_space<vmem>>, %arg8: memref<80x128xf32, #tpu.memory_space<vmem>>, %arg9: memref<80x128xf32, #tpu.memory_space<vmem>>, %arg10: memref<80x128xf32, #tpu.memory_space<vmem>>, %arg11: memref<10000x128xf32, #tpu.memory_space<vmem_shared>>, %arg12: memref<!tpu.dma_semaphore, #tpu.memory_space<semaphore_mem>>, %arg13: memref<!tpu.dma_semaphore, #tpu.memory_space<semaphore_mem>>, %arg14: memref<!tpu.dma_semaphore, #tpu.memory_space<semaphore_mem>>, %arg15: memref<!tpu.dma_semaphore, #tpu.memory_space<semaphore_mem>>, %arg16: memref<!tpu.dma_semaphore, #tpu.memory_space<semaphore_mem>>, %arg17: memref<!tpu.dma_semaphore, #tpu.memory_space<semaphore_mem>>) attributes {dimension_semantics = [#tpu.dimension_semantics<core_parallel>, #tpu.dimension_semantics<subcore_parallel>], iteration_bounds = array<i64: 2, 16>, scalar_prefetch = 0 : i64, scratch_operands = 12 : i64, tpu.core_type = #tpu.core_type<sc_vector_subcore>, window_params = [{transform_indices = #map}, {transform_indices = #map1}, {transform_indices = #map}, {transform_indices = #map2}]} {
    %mul3A = arith.constant 2 : i32
    %mul3A_0 = arith.muli %arg1, %mul3A : i32
    %add3A = arith.addi %mul3A_0, %arg0 : i32
    %mul3A_1 = arith.constant 632 : i32
    %mul3A_2 = arith.muli %arg1, %mul3A_1 : i32
    %lt3A = arith.constant 15 : i32
    %lt3A_3 = arith.cmpi slt, %arg1, %lt3A : i32
    %convert_element_type3A = arith.extui %lt3A_3 : i1 to i32
    %cond3A = arith.constant 0 : i32
    %cond3A_4 = arith.cmpi ne, %convert_element_type3A, %cond3A : i32
    scf.if %cond3A_4 {
      "tpu.region"() ({
        %run_scoped3A = tpu.sem_alloc : memref<!tpu.dma_semaphore, #tpu.memory_space<semaphore_mem>>
        %dma_start3A_73 = arith.constant 0 : i32
        %dma_start3A_74 = tpu.memref_slice %arg11[%mul3A_2, %dma_start3A_73] : memref<10000x128xf32, #tpu.memory_space<vmem_shared>> -> memref<632x128xf32, #tpu.memory_space<vmem_shared>>
        tpu.enqueue_dma source(%arg4 : memref<632x128xf32, #tpu.memory_space<hbm>>) target(%dma_start3A_74 : memref<632x128xf32, #tpu.memory_space<vmem_shared>>) target_semaphore(%run_scoped3A : memref<!tpu.dma_semaphore, #tpu.memory_space<semaphore_mem>>)
        %dma_wait3A_75 = arith.constant 0 : i32
        %dma_wait3A_76 = tpu.memref_slice %arg11[%mul3A_2, %dma_wait3A_75] : memref<10000x128xf32, #tpu.memory_space<vmem_shared>> -> memref<632x128xf32, #tpu.memory_space<vmem_shared>>
        tpu.wait_dma2 semaphore(%run_scoped3A : memref<!tpu.dma_semaphore, #tpu.memory_space<semaphore_mem>>) src(%arg4 : memref<632x128xf32, #tpu.memory_space<hbm>>) dst(%dma_wait3A_76 : memref<632x128xf32, #tpu.memory_space<vmem_shared>>)
        tpu.yield
      }) : () -> ()
    } else {
    }
    %eq3A = arith.constant 15 : i32
    %eq3A_5 = arith.cmpi eq, %arg1, %eq3A : i32
    %convert_element_type3A_6 = arith.extui %eq3A_5 : i1 to i32
    %cond3A_7 = arith.constant 0 : i32
    %cond3A_8 = arith.cmpi ne, %convert_element_type3A_6, %cond3A_7 : i32
    scf.if %cond3A_8 {
      "tpu.region"() ({
        %run_scoped3A = tpu.sem_alloc : memref<!tpu.dma_semaphore, #tpu.memory_space<semaphore_mem>>
        %dma_start3A_73 = arith.constant 9480 : i32
        %dma_start3A_74 = arith.constant 0 : i32
        %dma_start3A_75 = tpu.memref_slice %arg11[%dma_start3A_73, %dma_start3A_74] : memref<10000x128xf32, #tpu.memory_space<vmem_shared>> -> memref<520x128xf32, #tpu.memory_space<vmem_shared>>
        %dma_start3A_76 = arith.constant 0 : i32
        %dma_start3A_77 = arith.constant 0 : i32
        %dma_start3A_78 = tpu.memref_slice %arg4[%dma_start3A_76, %dma_start3A_77] : memref<632x128xf32, #tpu.memory_space<hbm>> -> memref<520x128xf32, #tpu.memory_space<hbm>>
        tpu.enqueue_dma source(%dma_start3A_78 : memref<520x128xf32, #tpu.memory_space<hbm>>) target(%dma_start3A_75 : memref<520x128xf32, #tpu.memory_space<vmem_shared>>) target_semaphore(%run_scoped3A : memref<!tpu.dma_semaphore, #tpu.memory_space<semaphore_mem>>)
        %dma_wait3A_79 = arith.constant 9480 : i32
        %dma_wait3A_80 = arith.constant 0 : i32
        %dma_wait3A_81 = tpu.memref_slice %arg11[%dma_wait3A_79, %dma_wait3A_80] : memref<10000x128xf32, #tpu.memory_space<vmem_shared>> -> memref<520x128xf32, #tpu.memory_space<vmem_shared>>
        %dma_wait3A_82 = arith.constant 0 : i32
        %dma_wait3A_83 = arith.constant 0 : i32
        %dma_wait3A_84 = tpu.memref_slice %arg4[%dma_wait3A_82, %dma_wait3A_83] : memref<632x128xf32, #tpu.memory_space<hbm>> -> memref<520x128xf32, #tpu.memory_space<hbm>>
        tpu.wait_dma2 semaphore(%run_scoped3A : memref<!tpu.dma_semaphore, #tpu.memory_space<semaphore_mem>>) src(%dma_wait3A_84 : memref<520x128xf32, #tpu.memory_space<hbm>>) dst(%dma_wait3A_81 : memref<520x128xf32, #tpu.memory_space<vmem_shared>>)
        tpu.yield
      }) : () -> ()
    } else {
    }
    %barrier3A = arith.constant 0 : index
    tpu.barrier barrier_id(%barrier3A)
    %mul3A_9 = arith.constant 10000 : i32
    %mul3A_10 = arith.muli %add3A, %mul3A_9 : i32
    "tpu.region"() ({
      %run_scoped3A = tpu.sem_alloc : memref<!tpu.dma_semaphore, #tpu.memory_space<semaphore_mem>>
      %dma_start3A_73 = tpu.memref_slice %arg3[%mul3A_10] : memref<640000xi32, #tpu.memory_space<hbm>> -> memref<10000xi32, #tpu.memory_space<hbm>>
      %dma_start3A_74 = tpu.memref_slice %arg3[%mul3A_10] : memref<640000xi32, #tpu.memory_space<hbm>> -> memref<10000xi32, #tpu.memory_space<hbm>>
      tpu.enqueue_dma source(%dma_start3A_74 : memref<10000xi32, #tpu.memory_space<hbm>>) target(%arg6 : memref<10000xi32, #tpu.memory_space<vmem>>) target_semaphore(%run_scoped3A : memref<!tpu.dma_semaphore, #tpu.memory_space<semaphore_mem>>)
      %dma_wait3A_75 = tpu.memref_slice %arg3[%mul3A_10] : memref<640000xi32, #tpu.memory_space<hbm>> -> memref<10000xi32, #tpu.memory_space<hbm>>
      %dma_wait3A_76 = tpu.memref_slice %arg3[%mul3A_10] : memref<640000xi32, #tpu.memory_space<hbm>> -> memref<10000xi32, #tpu.memory_space<hbm>>
      tpu.wait_dma2 semaphore(%run_scoped3A : memref<!tpu.dma_semaphore, #tpu.memory_space<semaphore_mem>>) src(%dma_wait3A_76 : memref<10000xi32, #tpu.memory_space<hbm>>) dst(%arg6 : memref<10000xi32, #tpu.memory_space<vmem>>)
      tpu.yield
    }) : () -> ()
    %mul3A_11 = arith.constant 10000 : i32
    %mul3A_12 = arith.muli %add3A, %mul3A_11 : i32
    %add3A_13 = arith.constant 320000 : i32
    %add3A_14 = arith.addi %add3A_13, %mul3A_12 : i32
    "tpu.region"() ({
      %run_scoped3A = tpu.sem_alloc : memref<!tpu.dma_semaphore, #tpu.memory_space<semaphore_mem>>
      %dma_start3A_73 = tpu.memref_slice %arg3[%add3A_14] : memref<640000xi32, #tpu.memory_space<hbm>> -> memref<10000xi32, #tpu.memory_space<hbm>>
      %dma_start3A_74 = tpu.memref_slice %arg3[%add3A_14] : memref<640000xi32, #tpu.memory_space<hbm>> -> memref<10000xi32, #tpu.memory_space<hbm>>
      tpu.enqueue_dma source(%dma_start3A_74 : memref<10000xi32, #tpu.memory_space<hbm>>) target(%arg7 : memref<10000xi32, #tpu.memory_space<vmem>>) target_semaphore(%run_scoped3A : memref<!tpu.dma_semaphore, #tpu.memory_space<semaphore_mem>>)
      %dma_wait3A_75 = tpu.memref_slice %arg3[%add3A_14] : memref<640000xi32, #tpu.memory_space<hbm>> -> memref<10000xi32, #tpu.memory_space<hbm>>
      %dma_wait3A_76 = tpu.memref_slice %arg3[%add3A_14] : memref<640000xi32, #tpu.memory_space<hbm>> -> memref<10000xi32, #tpu.memory_space<hbm>>
      tpu.wait_dma2 semaphore(%run_scoped3A : memref<!tpu.dma_semaphore, #tpu.memory_space<semaphore_mem>>) src(%dma_wait3A_76 : memref<10000xi32, #tpu.memory_space<hbm>>) dst(%arg7 : memref<10000xi32, #tpu.memory_space<vmem>>)
      tpu.yield
    }) : () -> ()
    %dma_start3A = arith.constant 0 : i32
    %dma_start3A_15 = tpu.memref_slice %arg6[%dma_start3A] : memref<10000xi32, #tpu.memory_space<vmem>> -> memref<80xi32, #tpu.memory_space<vmem>>
    %dma_start3A_16 = arith.constant 0 : i32
    %dma_start3A_17 = arith.constant 0 : i32
    %dma_start3A_18 = tpu.memref_slice %arg2[%dma_start3A_16, %dma_start3A_17] : memref<10000x128xf32, #tpu.memory_space<hbm>> -> memref<10000x128xf32, #tpu.memory_space<hbm>>
    tpu.enqueue_indirect_dma source(%dma_start3A_18 : memref<10000x128xf32, #tpu.memory_space<hbm>>) target(%arg8 : memref<80x128xf32, #tpu.memory_space<vmem>>) offsets(%dma_start3A_15 : memref<80xi32, #tpu.memory_space<vmem>>) semaphore(%arg12 : memref<!tpu.dma_semaphore, #tpu.memory_space<semaphore_mem>>)
    %dma_start3A_19 = arith.constant 80 : i32
    %dma_start3A_20 = tpu.memref_slice %arg6[%dma_start3A_19] : memref<10000xi32, #tpu.memory_space<vmem>> -> memref<80xi32, #tpu.memory_space<vmem>>
    %dma_start3A_21 = arith.constant 0 : i32
    %dma_start3A_22 = arith.constant 0 : i32
    %dma_start3A_23 = tpu.memref_slice %arg2[%dma_start3A_21, %dma_start3A_22] : memref<10000x128xf32, #tpu.memory_space<hbm>> -> memref<10000x128xf32, #tpu.memory_space<hbm>>
    tpu.enqueue_indirect_dma source(%dma_start3A_23 : memref<10000x128xf32, #tpu.memory_space<hbm>>) target(%arg9 : memref<80x128xf32, #tpu.memory_space<vmem>>) offsets(%dma_start3A_20 : memref<80xi32, #tpu.memory_space<vmem>>) semaphore(%arg13 : memref<!tpu.dma_semaphore, #tpu.memory_space<semaphore_mem>>)
    %scan3A = arith.constant 0 : i32
    %scan3A_24 = arith.constant 41 : i32
    %scan3A_25 = arith.addi %scan3A, %scan3A_24 : i32
    %scan3A_26 = arith.constant 1 : i32
    scf.for %scan3A_73 = %scan3A to %scan3A_25 step %scan3A_26  : i32 {
      %mul3A_74 = arith.constant 1 : i32
      %mul3A_75 = arith.muli %scan3A_73, %mul3A_74 : i32
      %add3A_76 = arith.constant 0 : i32
      %add3A_77 = arith.addi %add3A_76, %mul3A_75 : i32
      %mul3A_78 = arith.constant 3 : i32
      %mul3A_79 = arith.muli %add3A_77, %mul3A_78 : i32
      %mul3A_80 = arith.constant 80 : i32
      %mul3A_81 = arith.muli %mul3A_79, %mul3A_80 : i32
      %dma_wait3A_82 = tpu.memref_slice %arg6[%mul3A_81] : memref<10000xi32, #tpu.memory_space<vmem>> -> memref<80xi32, #tpu.memory_space<vmem>>
      %dma_wait3A_83 = arith.constant 0 : i32
      %dma_wait3A_84 = arith.constant 0 : i32
      %dma_wait3A_85 = tpu.memref_slice %arg2[%dma_wait3A_83, %dma_wait3A_84] : memref<10000x128xf32, #tpu.memory_space<hbm>> -> memref<10000x128xf32, #tpu.memory_space<hbm>>
      tpu.wait_indirect_dma semaphore(%arg12 : memref<!tpu.dma_semaphore, #tpu.memory_space<semaphore_mem>>) src(%dma_wait3A_85 : memref<10000x128xf32, #tpu.memory_space<hbm>>) dst(%arg8 : memref<80x128xf32, #tpu.memory_space<vmem>>)
      %mul3A_86 = arith.constant 80 : i32
      %mul3A_87 = arith.muli %mul3A_79, %mul3A_86 : i32
      %dma_start3A_88 = tpu.memref_slice %arg7[%mul3A_87] : memref<10000xi32, #tpu.memory_space<vmem>> -> memref<80xi32, #tpu.memory_space<vmem>>
      %dma_start3A_89 = arith.constant 0 : i32
      %dma_start3A_90 = arith.constant 0 : i32
      %dma_start3A_91 = tpu.memref_slice %arg11[%dma_start3A_89, %dma_start3A_90] : memref<10000x128xf32, #tpu.memory_space<vmem_shared>> -> memref<10000x128xf32, #tpu.memory_space<vmem_shared>>
      tpu.enqueue_indirect_dma source(%arg8 : memref<80x128xf32, #tpu.memory_space<vmem>>) target(%dma_start3A_91 : memref<10000x128xf32, #tpu.memory_space<vmem_shared>>) offsets(%dma_start3A_88 : memref<80xi32, #tpu.memory_space<vmem>>) semaphore(%arg15 : memref<!tpu.dma_semaphore, #tpu.memory_space<semaphore_mem>>) {add = true}
      %gt3A = arith.constant 0 : i32
      %gt3A_92 = arith.cmpi sgt, %add3A_77, %gt3A : i32
      %convert_element_type3A_93 = arith.extui %gt3A_92 : i1 to i32
      %cond3A_94 = arith.constant 0 : i32
      %cond3A_95 = arith.cmpi ne, %convert_element_type3A_93, %cond3A_94 : i32
      scf.if %cond3A_95 {
        %sub3A = arith.constant 1 : i32
        %sub3A_166 = arith.subi %mul3A_79, %sub3A : i32
        %mul3A_167 = arith.constant 80 : i32
        %mul3A_168 = arith.muli %sub3A_166, %mul3A_167 : i32
        %dma_wait3A_169 = tpu.memref_slice %arg7[%mul3A_168] : memref<10000xi32, #tpu.memory_space<vmem>> -> memref<80xi32, #tpu.memory_space<vmem>>
        %dma_wait3A_170 = arith.constant 0 : i32
        %dma_wait3A_171 = arith.constant 0 : i32
        %dma_wait3A_172 = tpu.memref_slice %arg11[%dma_wait3A_170, %dma_wait3A_171] : memref<10000x128xf32, #tpu.memory_space<vmem_shared>> -> memref<10000x128xf32, #tpu.memory_space<vmem_shared>>
        tpu.wait_indirect_dma semaphore(%arg17 : memref<!tpu.dma_semaphore, #tpu.memory_space<semaphore_mem>>) src(%arg10 : memref<80x128xf32, #tpu.memory_space<vmem>>) dst(%dma_wait3A_172 : memref<10000x128xf32, #tpu.memory_space<vmem_shared>>)
      } else {
      }
      %add3A_96 = arith.constant 2 : i32
      %add3A_97 = arith.addi %mul3A_79, %add3A_96 : i32
      %mul3A_98 = arith.constant 80 : i32
      %mul3A_99 = arith.muli %add3A_97, %mul3A_98 : i32
      %dma_start3A_100 = tpu.memref_slice %arg6[%mul3A_99] : memref<10000xi32, #tpu.memory_space<vmem>> -> memref<80xi32, #tpu.memory_space<vmem>>
      %dma_start3A_101 = arith.constant 0 : i32
      %dma_start3A_102 = arith.constant 0 : i32
      %dma_start3A_103 = tpu.memref_slice %arg2[%dma_start3A_101, %dma_start3A_102] : memref<10000x128xf32, #tpu.memory_space<hbm>> -> memref<10000x128xf32, #tpu.memory_space<hbm>>
      tpu.enqueue_indirect_dma source(%dma_start3A_103 : memref<10000x128xf32, #tpu.memory_space<hbm>>) target(%arg10 : memref<80x128xf32, #tpu.memory_space<vmem>>) offsets(%dma_start3A_100 : memref<80xi32, #tpu.memory_space<vmem>>) semaphore(%arg14 : memref<!tpu.dma_semaphore, #tpu.memory_space<semaphore_mem>>)
      %add3A_104 = arith.constant 1 : i32
      %add3A_105 = arith.addi %mul3A_79, %add3A_104 : i32
      %mul3A_106 = arith.constant 80 : i32
      %mul3A_107 = arith.muli %add3A_105, %mul3A_106 : i32
      %dma_wait3A_108 = tpu.memref_slice %arg6[%mul3A_107] : memref<10000xi32, #tpu.memory_space<vmem>> -> memref<80xi32, #tpu.memory_space<vmem>>
      %dma_wait3A_109 = arith.constant 0 : i32
      %dma_wait3A_110 = arith.constant 0 : i32
      %dma_wait3A_111 = tpu.memref_slice %arg2[%dma_wait3A_109, %dma_wait3A_110] : memref<10000x128xf32, #tpu.memory_space<hbm>> -> memref<10000x128xf32, #tpu.memory_space<hbm>>
      tpu.wait_indirect_dma semaphore(%arg13 : memref<!tpu.dma_semaphore, #tpu.memory_space<semaphore_mem>>) src(%dma_wait3A_111 : memref<10000x128xf32, #tpu.memory_space<hbm>>) dst(%arg9 : memref<80x128xf32, #tpu.memory_space<vmem>>)
      %add3A_112 = arith.constant 1 : i32
      %add3A_113 = arith.addi %mul3A_79, %add3A_112 : i32
      %mul3A_114 = arith.constant 80 : i32
      %mul3A_115 = arith.muli %add3A_113, %mul3A_114 : i32
      %dma_start3A_116 = tpu.memref_slice %arg7[%mul3A_115] : memref<10000xi32, #tpu.memory_space<vmem>> -> memref<80xi32, #tpu.memory_space<vmem>>
      %dma_start3A_117 = arith.constant 0 : i32
      %dma_start3A_118 = arith.constant 0 : i32
      %dma_start3A_119 = tpu.memref_slice %arg11[%dma_start3A_117, %dma_start3A_118] : memref<10000x128xf32, #tpu.memory_space<vmem_shared>> -> memref<10000x128xf32, #tpu.memory_space<vmem_shared>>
      tpu.enqueue_indirect_dma source(%arg9 : memref<80x128xf32, #tpu.memory_space<vmem>>) target(%dma_start3A_119 : memref<10000x128xf32, #tpu.memory_space<vmem_shared>>) offsets(%dma_start3A_116 : memref<80xi32, #tpu.memory_space<vmem>>) semaphore(%arg16 : memref<!tpu.dma_semaphore, #tpu.memory_space<semaphore_mem>>) {add = true}
      %mul3A_120 = arith.constant 80 : i32
      %mul3A_121 = arith.muli %mul3A_79, %mul3A_120 : i32
      %dma_wait3A_122 = tpu.memref_slice %arg7[%mul3A_121] : memref<10000xi32, #tpu.memory_space<vmem>> -> memref<80xi32, #tpu.memory_space<vmem>>
      %dma_wait3A_123 = arith.constant 0 : i32
      %dma_wait3A_124 = arith.constant 0 : i32
      %dma_wait3A_125 = tpu.memref_slice %arg11[%dma_wait3A_123, %dma_wait3A_124] : memref<10000x128xf32, #tpu.memory_space<vmem_shared>> -> memref<10000x128xf32, #tpu.memory_space<vmem_shared>>
      tpu.wait_indirect_dma semaphore(%arg15 : memref<!tpu.dma_semaphore, #tpu.memory_space<semaphore_mem>>) src(%arg8 : memref<80x128xf32, #tpu.memory_space<vmem>>) dst(%dma_wait3A_125 : memref<10000x128xf32, #tpu.memory_space<vmem_shared>>)
      %add3A_126 = arith.constant 3 : i32
      %add3A_127 = arith.addi %mul3A_79, %add3A_126 : i32
      %mul3A_128 = arith.constant 80 : i32
      %mul3A_129 = arith.muli %add3A_127, %mul3A_128 : i32
      %dma_start3A_130 = tpu.memref_slice %arg6[%mul3A_129] : memref<10000xi32, #tpu.memory_space<vmem>> -> memref<80xi32, #tpu.memory_space<vmem>>
      %dma_start3A_131 = arith.constant 0 : i32
      %dma_start3A_132 = arith.constant 0 : i32
      %dma_start3A_133 = tpu.memref_slice %arg2[%dma_start3A_131, %dma_start3A_132] : memref<10000x128xf32, #tpu.memory_space<hbm>> -> memref<10000x128xf32, #tpu.memory_space<hbm>>
      tpu.enqueue_indirect_dma source(%dma_start3A_133 : memref<10000x128xf32, #tpu.memory_space<hbm>>) target(%arg8 : memref<80x128xf32, #tpu.memory_space<vmem>>) offsets(%dma_start3A_130 : memref<80xi32, #tpu.memory_space<vmem>>) semaphore(%arg12 : memref<!tpu.dma_semaphore, #tpu.memory_space<semaphore_mem>>)
      %add3A_134 = arith.constant 2 : i32
      %add3A_135 = arith.addi %mul3A_79, %add3A_134 : i32
      %mul3A_136 = arith.constant 80 : i32
      %mul3A_137 = arith.muli %add3A_135, %mul3A_136 : i32
      %dma_wait3A_138 = tpu.memref_slice %arg6[%mul3A_137] : memref<10000xi32, #tpu.memory_space<vmem>> -> memref<80xi32, #tpu.memory_space<vmem>>
      %dma_wait3A_139 = arith.constant 0 : i32
      %dma_wait3A_140 = arith.constant 0 : i32
      %dma_wait3A_141 = tpu.memref_slice %arg2[%dma_wait3A_139, %dma_wait3A_140] : memref<10000x128xf32, #tpu.memory_space<hbm>> -> memref<10000x128xf32, #tpu.memory_space<hbm>>
      tpu.wait_indirect_dma semaphore(%arg14 : memref<!tpu.dma_semaphore, #tpu.memory_space<semaphore_mem>>) src(%dma_wait3A_141 : memref<10000x128xf32, #tpu.memory_space<hbm>>) dst(%arg10 : memref<80x128xf32, #tpu.memory_space<vmem>>)
      %add3A_142 = arith.constant 2 : i32
      %add3A_143 = arith.addi %mul3A_79, %add3A_142 : i32
      %mul3A_144 = arith.constant 80 : i32
      %mul3A_145 = arith.muli %add3A_143, %mul3A_144 : i32
      %dma_start3A_146 = tpu.memref_slice %arg7[%mul3A_145] : memref<10000xi32, #tpu.memory_space<vmem>> -> memref<80xi32, #tpu.memory_space<vmem>>
      %dma_start3A_147 = arith.constant 0 : i32
      %dma_start3A_148 = arith.constant 0 : i32
      %dma_start3A_149 = tpu.memref_slice %arg11[%dma_start3A_147, %dma_start3A_148] : memref<10000x128xf32, #tpu.memory_space<vmem_shared>> -> memref<10000x128xf32, #tpu.memory_space<vmem_shared>>
      tpu.enqueue_indirect_dma source(%arg10 : memref<80x128xf32, #tpu.memory_space<vmem>>) target(%dma_start3A_149 : memref<10000x128xf32, #tpu.memory_space<vmem_shared>>) offsets(%dma_start3A_146 : memref<80xi32, #tpu.memory_space<vmem>>) semaphore(%arg17 : memref<!tpu.dma_semaphore, #tpu.memory_space<semaphore_mem>>) {add = true}
      %add3A_150 = arith.constant 1 : i32
      %add3A_151 = arith.addi %mul3A_79, %add3A_150 : i32
      %mul3A_152 = arith.constant 80 : i32
      %mul3A_153 = arith.muli %add3A_151, %mul3A_152 : i32
      %dma_wait3A_154 = tpu.memref_slice %arg7[%mul3A_153] : memref<10000xi32, #tpu.memory_space<vmem>> -> memref<80xi32, #tpu.memory_space<vmem>>
      %dma_wait3A_155 = arith.constant 0 : i32
      %dma_wait3A_156 = arith.constant 0 : i32
      %dma_wait3A_157 = tpu.memref_slice %arg11[%dma_wait3A_155, %dma_wait3A_156] : memref<10000x128xf32, #tpu.memory_space<vmem_shared>> -> memref<10000x128xf32, #tpu.memory_space<vmem_shared>>
      tpu.wait_indirect_dma semaphore(%arg16 : memref<!tpu.dma_semaphore, #tpu.memory_space<semaphore_mem>>) src(%arg9 : memref<80x128xf32, #tpu.memory_space<vmem>>) dst(%dma_wait3A_157 : memref<10000x128xf32, #tpu.memory_space<vmem_shared>>)
      %add3A_158 = arith.constant 4 : i32
      %add3A_159 = arith.addi %mul3A_79, %add3A_158 : i32
      %mul3A_160 = arith.constant 80 : i32
      %mul3A_161 = arith.muli %add3A_159, %mul3A_160 : i32
      %dma_start3A_162 = tpu.memref_slice %arg6[%mul3A_161] : memref<10000xi32, #tpu.memory_space<vmem>> -> memref<80xi32, #tpu.memory_space<vmem>>
      %dma_start3A_163 = arith.constant 0 : i32
      %dma_start3A_164 = arith.constant 0 : i32
      %dma_start3A_165 = tpu.memref_slice %arg2[%dma_start3A_163, %dma_start3A_164] : memref<10000x128xf32, #tpu.memory_space<hbm>> -> memref<10000x128xf32, #tpu.memory_space<hbm>>
      tpu.enqueue_indirect_dma source(%dma_start3A_165 : memref<10000x128xf32, #tpu.memory_space<hbm>>) target(%arg9 : memref<80x128xf32, #tpu.memory_space<vmem>>) offsets(%dma_start3A_162 : memref<80xi32, #tpu.memory_space<vmem>>) semaphore(%arg13 : memref<!tpu.dma_semaphore, #tpu.memory_space<semaphore_mem>>)
    }
    %scan3A_27 = arith.constant 41 : i32
    %dma_wait3A = arith.constant 9840 : i32
    %dma_wait3A_28 = tpu.memref_slice %arg6[%dma_wait3A] : memref<10000xi32, #tpu.memory_space<vmem>> -> memref<80xi32, #tpu.memory_space<vmem>>
    %dma_wait3A_29 = arith.constant 0 : i32
    %dma_wait3A_30 = arith.constant 0 : i32
    %dma_wait3A_31 = tpu.memref_slice %arg2[%dma_wait3A_29, %dma_wait3A_30] : memref<10000x128xf32, #tpu.memory_space<hbm>> -> memref<10000x128xf32, #tpu.memory_space<hbm>>
    tpu.wait_indirect_dma semaphore(%arg12 : memref<!tpu.dma_semaphore, #tpu.memory_space<semaphore_mem>>) src(%dma_wait3A_31 : memref<10000x128xf32, #tpu.memory_space<hbm>>) dst(%arg8 : memref<80x128xf32, #tpu.memory_space<vmem>>)
    %dma_start3A_32 = arith.constant 9840 : i32
    %dma_start3A_33 = tpu.memref_slice %arg7[%dma_start3A_32] : memref<10000xi32, #tpu.memory_space<vmem>> -> memref<80xi32, #tpu.memory_space<vmem>>
    %dma_start3A_34 = arith.constant 0 : i32
    %dma_start3A_35 = arith.constant 0 : i32
    %dma_start3A_36 = tpu.memref_slice %arg11[%dma_start3A_34, %dma_start3A_35] : memref<10000x128xf32, #tpu.memory_space<vmem_shared>> -> memref<10000x128xf32, #tpu.memory_space<vmem_shared>>
    tpu.enqueue_indirect_dma source(%arg8 : memref<80x128xf32, #tpu.memory_space<vmem>>) target(%dma_start3A_36 : memref<10000x128xf32, #tpu.memory_space<vmem_shared>>) offsets(%dma_start3A_33 : memref<80xi32, #tpu.memory_space<vmem>>) semaphore(%arg15 : memref<!tpu.dma_semaphore, #tpu.memory_space<semaphore_mem>>) {add = true}
    %dma_wait3A_37 = arith.constant 9760 : i32
    %dma_wait3A_38 = tpu.memref_slice %arg7[%dma_wait3A_37] : memref<10000xi32, #tpu.memory_space<vmem>> -> memref<80xi32, #tpu.memory_space<vmem>>
    %dma_wait3A_39 = arith.constant 0 : i32
    %dma_wait3A_40 = arith.constant 0 : i32
    %dma_wait3A_41 = tpu.memref_slice %arg11[%dma_wait3A_39, %dma_wait3A_40] : memref<10000x128xf32, #tpu.memory_space<vmem_shared>> -> memref<10000x128xf32, #tpu.memory_space<vmem_shared>>
    tpu.wait_indirect_dma semaphore(%arg17 : memref<!tpu.dma_semaphore, #tpu.memory_space<semaphore_mem>>) src(%arg10 : memref<80x128xf32, #tpu.memory_space<vmem>>) dst(%dma_wait3A_41 : memref<10000x128xf32, #tpu.memory_space<vmem_shared>>)
    %dma_wait3A_42 = arith.constant 9920 : i32
    %dma_wait3A_43 = tpu.memref_slice %arg6[%dma_wait3A_42] : memref<10000xi32, #tpu.memory_space<vmem>> -> memref<80xi32, #tpu.memory_space<vmem>>
    %dma_wait3A_44 = arith.constant 0 : i32
    %dma_wait3A_45 = arith.constant 0 : i32
    %dma_wait3A_46 = tpu.memref_slice %arg2[%dma_wait3A_44, %dma_wait3A_45] : memref<10000x128xf32, #tpu.memory_space<hbm>> -> memref<10000x128xf32, #tpu.memory_space<hbm>>
    tpu.wait_indirect_dma semaphore(%arg13 : memref<!tpu.dma_semaphore, #tpu.memory_space<semaphore_mem>>) src(%dma_wait3A_46 : memref<10000x128xf32, #tpu.memory_space<hbm>>) dst(%arg9 : memref<80x128xf32, #tpu.memory_space<vmem>>)
    %dma_start3A_47 = arith.constant 9920 : i32
    %dma_start3A_48 = tpu.memref_slice %arg7[%dma_start3A_47] : memref<10000xi32, #tpu.memory_space<vmem>> -> memref<80xi32, #tpu.memory_space<vmem>>
    %dma_start3A_49 = arith.constant 0 : i32
    %dma_start3A_50 = arith.constant 0 : i32
    %dma_start3A_51 = tpu.memref_slice %arg11[%dma_start3A_49, %dma_start3A_50] : memref<10000x128xf32, #tpu.memory_space<vmem_shared>> -> memref<10000x128xf32, #tpu.memory_space<vmem_shared>>
    tpu.enqueue_indirect_dma source(%arg9 : memref<80x128xf32, #tpu.memory_space<vmem>>) target(%dma_start3A_51 : memref<10000x128xf32, #tpu.memory_space<vmem_shared>>) offsets(%dma_start3A_48 : memref<80xi32, #tpu.memory_space<vmem>>) semaphore(%arg16 : memref<!tpu.dma_semaphore, #tpu.memory_space<semaphore_mem>>) {add = true}
    %dma_wait3A_52 = arith.constant 9840 : i32
    %dma_wait3A_53 = tpu.memref_slice %arg7[%dma_wait3A_52] : memref<10000xi32, #tpu.memory_space<vmem>> -> memref<80xi32, #tpu.memory_space<vmem>>
    %dma_wait3A_54 = arith.constant 0 : i32
    %dma_wait3A_55 = arith.constant 0 : i32
    %dma_wait3A_56 = tpu.memref_slice %arg11[%dma_wait3A_54, %dma_wait3A_55] : memref<10000x128xf32, #tpu.memory_space<vmem_shared>> -> memref<10000x128xf32, #tpu.memory_space<vmem_shared>>
    tpu.wait_indirect_dma semaphore(%arg15 : memref<!tpu.dma_semaphore, #tpu.memory_space<semaphore_mem>>) src(%arg8 : memref<80x128xf32, #tpu.memory_space<vmem>>) dst(%dma_wait3A_56 : memref<10000x128xf32, #tpu.memory_space<vmem_shared>>)
    %dma_wait3A_57 = arith.constant 9920 : i32
    %dma_wait3A_58 = tpu.memref_slice %arg7[%dma_wait3A_57] : memref<10000xi32, #tpu.memory_space<vmem>> -> memref<80xi32, #tpu.memory_space<vmem>>
    %dma_wait3A_59 = arith.constant 0 : i32
    %dma_wait3A_60 = arith.constant 0 : i32
    %dma_wait3A_61 = tpu.memref_slice %arg11[%dma_wait3A_59, %dma_wait3A_60] : memref<10000x128xf32, #tpu.memory_space<vmem_shared>> -> memref<10000x128xf32, #tpu.memory_space<vmem_shared>>
    tpu.wait_indirect_dma semaphore(%arg16 : memref<!tpu.dma_semaphore, #tpu.memory_space<semaphore_mem>>) src(%arg9 : memref<80x128xf32, #tpu.memory_space<vmem>>) dst(%dma_wait3A_61 : memref<10000x128xf32, #tpu.memory_space<vmem_shared>>)
    %barrier3A_62 = arith.constant 0 : index
    tpu.barrier barrier_id(%barrier3A_62)
    %lt3A_63 = arith.constant 15 : i32
    %lt3A_64 = arith.cmpi slt, %arg1, %lt3A_63 : i32
    %convert_element_type3A_65 = arith.extui %lt3A_64 : i1 to i32
    %cond3A_66 = arith.constant 0 : i32
    %cond3A_67 = arith.cmpi ne, %convert_element_type3A_65, %cond3A_66 : i32
    scf.if %cond3A_67 {
      "tpu.region"() ({
        %run_scoped3A = tpu.sem_alloc : memref<!tpu.dma_semaphore, #tpu.memory_space<semaphore_mem>>
        %dma_start3A_73 = arith.constant 0 : i32
        %dma_start3A_74 = tpu.memref_slice %arg5[%arg0, %mul3A_2, %dma_start3A_73] : memref<2x10000x128xf32, #tpu.memory_space<hbm>> -> memref<1x632x128xf32, #tpu.memory_space<hbm>>
        %dma_start3A_75 = tpu.memref_squeeze %dma_start3A_74 : memref<1x632x128xf32, #tpu.memory_space<hbm>> -> memref<632x128xf32, #tpu.memory_space<hbm>>
        %dma_start3A_76 = arith.constant 0 : i32
        %dma_start3A_77 = tpu.memref_slice %arg11[%mul3A_2, %dma_start3A_76] : memref<10000x128xf32, #tpu.memory_space<vmem_shared>> -> memref<632x128xf32, #tpu.memory_space<vmem_shared>>
        tpu.enqueue_dma source(%dma_start3A_77 : memref<632x128xf32, #tpu.memory_space<vmem_shared>>) target(%dma_start3A_75 : memref<632x128xf32, #tpu.memory_space<hbm>>) target_semaphore(%run_scoped3A : memref<!tpu.dma_semaphore, #tpu.memory_space<semaphore_mem>>)
        %dma_wait3A_78 = arith.constant 0 : i32
        %dma_wait3A_79 = tpu.memref_slice %arg5[%arg0, %mul3A_2, %dma_wait3A_78] : memref<2x10000x128xf32, #tpu.memory_space<hbm>> -> memref<1x632x128xf32, #tpu.memory_space<hbm>>
        %dma_wait3A_80 = tpu.memref_squeeze %dma_wait3A_79 : memref<1x632x128xf32, #tpu.memory_space<hbm>> -> memref<632x128xf32, #tpu.memory_space<hbm>>
        %dma_wait3A_81 = arith.constant 0 : i32
        %dma_wait3A_82 = tpu.memref_slice %arg11[%mul3A_2, %dma_wait3A_81] : memref<10000x128xf32, #tpu.memory_space<vmem_shared>> -> memref<632x128xf32, #tpu.memory_space<vmem_shared>>
        tpu.wait_dma2 semaphore(%run_scoped3A : memref<!tpu.dma_semaphore, #tpu.memory_space<semaphore_mem>>) src(%dma_wait3A_82 : memref<632x128xf32, #tpu.memory_space<vmem_shared>>) dst(%dma_wait3A_80 : memref<632x128xf32, #tpu.memory_space<hbm>>)
        tpu.yield
      }) : () -> ()
    } else {
    }
    %eq3A_68 = arith.constant 15 : i32
    %eq3A_69 = arith.cmpi eq, %arg1, %eq3A_68 : i32
    %convert_element_type3A_70 = arith.extui %eq3A_69 : i1 to i32
    %cond3A_71 = arith.constant 0 : i32
    %cond3A_72 = arith.cmpi ne, %convert_element_type3A_70, %cond3A_71 : i32
    scf.if %cond3A_72 {
      "tpu.region"() ({
        %run_scoped3A = tpu.sem_alloc : memref<!tpu.dma_semaphore, #tpu.memory_space<semaphore_mem>>
        %dma_start3A_73 = arith.constant 9480 : i32
        %dma_start3A_74 = arith.constant 0 : i32
        %dma_start3A_75 = tpu.memref_slice %arg5[%arg0, %dma_start3A_73, %dma_start3A_74] : memref<2x10000x128xf32, #tpu.memory_space<hbm>> -> memref<1x520x128xf32, #tpu.memory_space<hbm>>
        %dma_start3A_76 = tpu.memref_squeeze %dma_start3A_75 : memref<1x520x128xf32, #tpu.memory_space<hbm>> -> memref<520x128xf32, #tpu.memory_space<hbm>>
        %dma_start3A_77 = arith.constant 9480 : i32
        %dma_start3A_78 = arith.constant 0 : i32
        %dma_start3A_79 = tpu.memref_slice %arg11[%dma_start3A_77, %dma_start3A_78] : memref<10000x128xf32, #tpu.memory_space<vmem_shared>> -> memref<520x128xf32, #tpu.memory_space<vmem_shared>>
        tpu.enqueue_dma source(%dma_start3A_79 : memref<520x128xf32, #tpu.memory_space<vmem_shared>>) target(%dma_start3A_76 : memref<520x128xf32, #tpu.memory_space<hbm>>) target_semaphore(%run_scoped3A : memref<!tpu.dma_semaphore, #tpu.memory_space<semaphore_mem>>)
        %dma_wait3A_80 = arith.constant 9480 : i32
        %dma_wait3A_81 = arith.constant 0 : i32
        %dma_wait3A_82 = tpu.memref_slice %arg5[%arg0, %dma_wait3A_80, %dma_wait3A_81] : memref<2x10000x128xf32, #tpu.memory_space<hbm>> -> memref<1x520x128xf32, #tpu.memory_space<hbm>>
        %dma_wait3A_83 = tpu.memref_squeeze %dma_wait3A_82 : memref<1x520x128xf32, #tpu.memory_space<hbm>> -> memref<520x128xf32, #tpu.memory_space<hbm>>
        %dma_wait3A_84 = arith.constant 9480 : i32
        %dma_wait3A_85 = arith.constant 0 : i32
        %dma_wait3A_86 = tpu.memref_slice %arg11[%dma_wait3A_84, %dma_wait3A_85] : memref<10000x128xf32, #tpu.memory_space<vmem_shared>> -> memref<520x128xf32, #tpu.memory_space<vmem_shared>>
        tpu.wait_dma2 semaphore(%run_scoped3A : memref<!tpu.dma_semaphore, #tpu.memory_space<semaphore_mem>>) src(%dma_wait3A_86 : memref<520x128xf32, #tpu.memory_space<vmem_shared>>) dst(%dma_wait3A_83 : memref<520x128xf32, #tpu.memory_space<hbm>>)
        tpu.yield
      }) : () -> ()
    } else {
    }
    return
  }
}

module attributes {stable_mosaic.version = 14 : i64} {
  func.func @_mlp_body(%arg0: memref<10000x128xf32, #tpu.memory_space<vmem>>, %arg1: memref<2x10000x128xf32, #tpu.memory_space<vmem>>, %arg2: memref<5x128x128xf32, #tpu.memory_space<vmem>>, %arg3: memref<5x128xf32, #tpu.memory_space<vmem>>, %arg4: memref<4x128xf32, #tpu.memory_space<vmem>>, %arg5: memref<4x128xf32, #tpu.memory_space<vmem>>, %arg6: memref<10000x128xf32, #tpu.memory_space<vmem>>) attributes {dimension_semantics = [], scalar_prefetch = 0 : i64, scratch_operands = 0 : i64, tpu.core_type = #tpu.core_type<tc>} {
    %get3A = arith.constant 0 : index
    %get3A_0 = arith.constant 0 : index
    %get3A_1 = vector.load %arg0[%get3A, %get3A_0] : memref<10000x128xf32, #tpu.memory_space<vmem>>, vector<10000x128xf32>
    %get3A_2 = arith.constant 0 : index
    %get3A_3 = arith.constant 0 : index
    %get3A_4 = arith.constant 0 : index
    %get3A_5 = vector.load %arg1[%get3A_2, %get3A_3, %get3A_4] : memref<2x10000x128xf32, #tpu.memory_space<vmem>>, vector<1x10000x128xf32>
    %get3A_6 = vector.shape_cast %get3A_5 : vector<1x10000x128xf32> to vector<10000x128xf32>
    %add3A = arith.addf %get3A_1, %get3A_6 : vector<10000x128xf32>
    %get3A_7 = arith.constant 1 : index
    %get3A_8 = arith.constant 0 : index
    %get3A_9 = arith.constant 0 : index
    %get3A_10 = vector.load %arg1[%get3A_7, %get3A_8, %get3A_9] : memref<2x10000x128xf32, #tpu.memory_space<vmem>>, vector<1x10000x128xf32>
    %get3A_11 = vector.shape_cast %get3A_10 : vector<1x10000x128xf32> to vector<10000x128xf32>
    %add3A_12 = arith.addf %add3A, %get3A_11 : vector<10000x128xf32>
    %get3A_13 = arith.constant 0 : index
    %get3A_14 = arith.constant 0 : index
    %get3A_15 = arith.constant 0 : index
    %get3A_16 = vector.load %arg2[%get3A_13, %get3A_14, %get3A_15] : memref<5x128x128xf32, #tpu.memory_space<vmem>>, vector<1x128x128xf32>
    %get3A_17 = vector.shape_cast %get3A_16 : vector<1x128x128xf32> to vector<128x128xf32>
    %dot_general3A = arith.constant dense<0.000000e+00> : vector<10000x128xf32>
    %dot_general3A_18 = tpu.matmul %add3A_12, %get3A_17, %dot_general3A {dimension_numbers = #tpu.dot_dimension_numbers<[1], [0], [0], [1], [0, 0, 1, 1], [], []>, transpose_lhs_hint = false} : vector<10000x128xf32>, vector<128x128xf32>, vector<10000x128xf32> -> vector<10000x128xf32>
    %get3A_19 = arith.constant 0 : index
    %get3A_20 = arith.constant 0 : index
    %get3A_21 = vector.load %arg3[%get3A_19, %get3A_20] : memref<5x128xf32, #tpu.memory_space<vmem>>, vector<1x128xf32>
    %get3A_22 = vector.shape_cast %get3A_21 : vector<1x128xf32> to vector<128xf32>
    %broadcast_in_dim3A = vector.shape_cast %get3A_22 : vector<128xf32> to vector<1x128xf32>
    %add3A_23 = vector.broadcast %broadcast_in_dim3A : vector<1x128xf32> to vector<10000x128xf32>
    %add3A_24 = arith.addf %dot_general3A_18, %add3A_23 : vector<10000x128xf32>
    %reduce_sum3A = arith.constant dense<0.000000e+00> : vector<128xf32>
    %reduce_sum3A_25 = vector.multi_reduction <add>, %add3A_24, %reduce_sum3A [0] : vector<10000x128xf32> to vector<128xf32>
    %div3A = arith.constant 1.000000e+04 : f32
    %div3A_26 = vector.broadcast %div3A : f32 to vector<128xf32>
    %div3A_27 = arith.divf %reduce_sum3A_25, %div3A_26 : vector<128xf32>
    %broadcast_in_dim3A_28 = vector.shape_cast %div3A_27 : vector<128xf32> to vector<1x128xf32>
    %sub3A = vector.broadcast %broadcast_in_dim3A_28 : vector<1x128xf32> to vector<10000x128xf32>
    %sub3A_29 = arith.subf %add3A_24, %sub3A : vector<10000x128xf32>
    %integer_pow3A = arith.mulf %sub3A_29, %sub3A_29 : vector<10000x128xf32>
    %reduce_sum3A_30 = arith.constant dense<0.000000e+00> : vector<128xf32>
    %reduce_sum3A_31 = vector.multi_reduction <add>, %integer_pow3A, %reduce_sum3A_30 [0] : vector<10000x128xf32> to vector<128xf32>
    %div3A_32 = arith.constant 1.000000e+04 : f32
    %div3A_33 = vector.broadcast %div3A_32 : f32 to vector<128xf32>
    %div3A_34 = arith.divf %reduce_sum3A_31, %div3A_33 : vector<128xf32>
    %get3A_35 = arith.constant 0 : index
    %get3A_36 = arith.constant 0 : index
    %get3A_37 = vector.load %arg4[%get3A_35, %get3A_36] : memref<4x128xf32, #tpu.memory_space<vmem>>, vector<1x128xf32>
    %get3A_38 = vector.shape_cast %get3A_37 : vector<1x128xf32> to vector<128xf32>
    %broadcast_in_dim3A_39 = vector.shape_cast %div3A_27 : vector<128xf32> to vector<1x128xf32>
    %sub3A_40 = vector.broadcast %broadcast_in_dim3A_39 : vector<1x128xf32> to vector<10000x128xf32>
    %sub3A_41 = arith.subf %add3A_24, %sub3A_40 : vector<10000x128xf32>
    %broadcast_in_dim3A_42 = vector.shape_cast %get3A_38 : vector<128xf32> to vector<1x128xf32>
    %mul3A = vector.broadcast %broadcast_in_dim3A_42 : vector<1x128xf32> to vector<10000x128xf32>
    %mul3A_43 = arith.mulf %mul3A, %sub3A_41 : vector<10000x128xf32>
    %add3A_44 = arith.constant 9.99999974E-6 : f32
    %add3A_45 = vector.broadcast %add3A_44 : f32 to vector<128xf32>
    %add3A_46 = arith.addf %div3A_34, %add3A_45 : vector<128xf32>
    %sqrt3A = math.sqrt %add3A_46 : vector<128xf32>
    %broadcast_in_dim3A_47 = vector.shape_cast %sqrt3A : vector<128xf32> to vector<1x128xf32>
    %div3A_48 = vector.broadcast %broadcast_in_dim3A_47 : vector<1x128xf32> to vector<10000x128xf32>
    %div3A_49 = arith.divf %mul3A_43, %div3A_48 : vector<10000x128xf32>
    %get3A_50 = arith.constant 0 : index
    %get3A_51 = arith.constant 0 : index
    %get3A_52 = vector.load %arg5[%get3A_50, %get3A_51] : memref<4x128xf32, #tpu.memory_space<vmem>>, vector<1x128xf32>
    %get3A_53 = vector.shape_cast %get3A_52 : vector<1x128xf32> to vector<128xf32>
    %broadcast_in_dim3A_54 = vector.shape_cast %get3A_53 : vector<128xf32> to vector<1x128xf32>
    %add3A_55 = vector.broadcast %broadcast_in_dim3A_54 : vector<1x128xf32> to vector<10000x128xf32>
    %add3A_56 = arith.addf %div3A_49, %add3A_55 : vector<10000x128xf32>
    %max3A = arith.constant 0.000000e+00 : f32
    %max3A_57 = vector.broadcast %max3A : f32 to vector<10000x128xf32>
    %max3A_58 = arith.maximumf %add3A_56, %max3A_57 : vector<10000x128xf32>
    %get3A_59 = arith.constant 1 : index
    %get3A_60 = arith.constant 0 : index
    %get3A_61 = arith.constant 0 : index
    %get3A_62 = vector.load %arg2[%get3A_59, %get3A_60, %get3A_61] : memref<5x128x128xf32, #tpu.memory_space<vmem>>, vector<1x128x128xf32>
    %get3A_63 = vector.shape_cast %get3A_62 : vector<1x128x128xf32> to vector<128x128xf32>
    %dot_general3A_64 = arith.constant dense<0.000000e+00> : vector<10000x128xf32>
    %dot_general3A_65 = tpu.matmul %max3A_58, %get3A_63, %dot_general3A_64 {dimension_numbers = #tpu.dot_dimension_numbers<[1], [0], [0], [1], [0, 0, 1, 1], [], []>, transpose_lhs_hint = false} : vector<10000x128xf32>, vector<128x128xf32>, vector<10000x128xf32> -> vector<10000x128xf32>
    %get3A_66 = arith.constant 1 : index
    %get3A_67 = arith.constant 0 : index
    %get3A_68 = vector.load %arg3[%get3A_66, %get3A_67] : memref<5x128xf32, #tpu.memory_space<vmem>>, vector<1x128xf32>
    %get3A_69 = vector.shape_cast %get3A_68 : vector<1x128xf32> to vector<128xf32>
    %broadcast_in_dim3A_70 = vector.shape_cast %get3A_69 : vector<128xf32> to vector<1x128xf32>
    %add3A_71 = vector.broadcast %broadcast_in_dim3A_70 : vector<1x128xf32> to vector<10000x128xf32>
    %add3A_72 = arith.addf %dot_general3A_65, %add3A_71 : vector<10000x128xf32>
    %reduce_sum3A_73 = arith.constant dense<0.000000e+00> : vector<128xf32>
    %reduce_sum3A_74 = vector.multi_reduction <add>, %add3A_72, %reduce_sum3A_73 [0] : vector<10000x128xf32> to vector<128xf32>
    %div3A_75 = arith.constant 1.000000e+04 : f32
    %div3A_76 = vector.broadcast %div3A_75 : f32 to vector<128xf32>
    %div3A_77 = arith.divf %reduce_sum3A_74, %div3A_76 : vector<128xf32>
    %broadcast_in_dim3A_78 = vector.shape_cast %div3A_77 : vector<128xf32> to vector<1x128xf32>
    %sub3A_79 = vector.broadcast %broadcast_in_dim3A_78 : vector<1x128xf32> to vector<10000x128xf32>
    %sub3A_80 = arith.subf %add3A_72, %sub3A_79 : vector<10000x128xf32>
    %integer_pow3A_81 = arith.mulf %sub3A_80, %sub3A_80 : vector<10000x128xf32>
    %reduce_sum3A_82 = arith.constant dense<0.000000e+00> : vector<128xf32>
    %reduce_sum3A_83 = vector.multi_reduction <add>, %integer_pow3A_81, %reduce_sum3A_82 [0] : vector<10000x128xf32> to vector<128xf32>
    %div3A_84 = arith.constant 1.000000e+04 : f32
    %div3A_85 = vector.broadcast %div3A_84 : f32 to vector<128xf32>
    %div3A_86 = arith.divf %reduce_sum3A_83, %div3A_85 : vector<128xf32>
    %get3A_87 = arith.constant 1 : index
    %get3A_88 = arith.constant 0 : index
    %get3A_89 = vector.load %arg4[%get3A_87, %get3A_88] : memref<4x128xf32, #tpu.memory_space<vmem>>, vector<1x128xf32>
    %get3A_90 = vector.shape_cast %get3A_89 : vector<1x128xf32> to vector<128xf32>
    %broadcast_in_dim3A_91 = vector.shape_cast %div3A_77 : vector<128xf32> to vector<1x128xf32>
    %sub3A_92 = vector.broadcast %broadcast_in_dim3A_91 : vector<1x128xf32> to vector<10000x128xf32>
    %sub3A_93 = arith.subf %add3A_72, %sub3A_92 : vector<10000x128xf32>
    %broadcast_in_dim3A_94 = vector.shape_cast %get3A_90 : vector<128xf32> to vector<1x128xf32>
    %mul3A_95 = vector.broadcast %broadcast_in_dim3A_94 : vector<1x128xf32> to vector<10000x128xf32>
    %mul3A_96 = arith.mulf %mul3A_95, %sub3A_93 : vector<10000x128xf32>
    %add3A_97 = arith.constant 9.99999974E-6 : f32
    %add3A_98 = vector.broadcast %add3A_97 : f32 to vector<128xf32>
    %add3A_99 = arith.addf %div3A_86, %add3A_98 : vector<128xf32>
    %sqrt3A_100 = math.sqrt %add3A_99 : vector<128xf32>
    %broadcast_in_dim3A_101 = vector.shape_cast %sqrt3A_100 : vector<128xf32> to vector<1x128xf32>
    %div3A_102 = vector.broadcast %broadcast_in_dim3A_101 : vector<1x128xf32> to vector<10000x128xf32>
    %div3A_103 = arith.divf %mul3A_96, %div3A_102 : vector<10000x128xf32>
    %get3A_104 = arith.constant 1 : index
    %get3A_105 = arith.constant 0 : index
    %get3A_106 = vector.load %arg5[%get3A_104, %get3A_105] : memref<4x128xf32, #tpu.memory_space<vmem>>, vector<1x128xf32>
    %get3A_107 = vector.shape_cast %get3A_106 : vector<1x128xf32> to vector<128xf32>
    %broadcast_in_dim3A_108 = vector.shape_cast %get3A_107 : vector<128xf32> to vector<1x128xf32>
    %add3A_109 = vector.broadcast %broadcast_in_dim3A_108 : vector<1x128xf32> to vector<10000x128xf32>
    %add3A_110 = arith.addf %div3A_103, %add3A_109 : vector<10000x128xf32>
    %max3A_111 = arith.constant 0.000000e+00 : f32
    %max3A_112 = vector.broadcast %max3A_111 : f32 to vector<10000x128xf32>
    %max3A_113 = arith.maximumf %add3A_110, %max3A_112 : vector<10000x128xf32>
    %get3A_114 = arith.constant 2 : index
    %get3A_115 = arith.constant 0 : index
    %get3A_116 = arith.constant 0 : index
    %get3A_117 = vector.load %arg2[%get3A_114, %get3A_115, %get3A_116] : memref<5x128x128xf32, #tpu.memory_space<vmem>>, vector<1x128x128xf32>
    %get3A_118 = vector.shape_cast %get3A_117 : vector<1x128x128xf32> to vector<128x128xf32>
    %dot_general3A_119 = arith.constant dense<0.000000e+00> : vector<10000x128xf32>
    %dot_general3A_120 = tpu.matmul %max3A_113, %get3A_118, %dot_general3A_119 {dimension_numbers = #tpu.dot_dimension_numbers<[1], [0], [0], [1], [0, 0, 1, 1], [], []>, transpose_lhs_hint = false} : vector<10000x128xf32>, vector<128x128xf32>, vector<10000x128xf32> -> vector<10000x128xf32>
    %get3A_121 = arith.constant 2 : index
    %get3A_122 = arith.constant 0 : index
    %get3A_123 = vector.load %arg3[%get3A_121, %get3A_122] : memref<5x128xf32, #tpu.memory_space<vmem>>, vector<1x128xf32>
    %get3A_124 = vector.shape_cast %get3A_123 : vector<1x128xf32> to vector<128xf32>
    %broadcast_in_dim3A_125 = vector.shape_cast %get3A_124 : vector<128xf32> to vector<1x128xf32>
    %add3A_126 = vector.broadcast %broadcast_in_dim3A_125 : vector<1x128xf32> to vector<10000x128xf32>
    %add3A_127 = arith.addf %dot_general3A_120, %add3A_126 : vector<10000x128xf32>
    %reduce_sum3A_128 = arith.constant dense<0.000000e+00> : vector<128xf32>
    %reduce_sum3A_129 = vector.multi_reduction <add>, %add3A_127, %reduce_sum3A_128 [0] : vector<10000x128xf32> to vector<128xf32>
    %div3A_130 = arith.constant 1.000000e+04 : f32
    %div3A_131 = vector.broadcast %div3A_130 : f32 to vector<128xf32>
    %div3A_132 = arith.divf %reduce_sum3A_129, %div3A_131 : vector<128xf32>
    %broadcast_in_dim3A_133 = vector.shape_cast %div3A_132 : vector<128xf32> to vector<1x128xf32>
    %sub3A_134 = vector.broadcast %broadcast_in_dim3A_133 : vector<1x128xf32> to vector<10000x128xf32>
    %sub3A_135 = arith.subf %add3A_127, %sub3A_134 : vector<10000x128xf32>
    %integer_pow3A_136 = arith.mulf %sub3A_135, %sub3A_135 : vector<10000x128xf32>
    %reduce_sum3A_137 = arith.constant dense<0.000000e+00> : vector<128xf32>
    %reduce_sum3A_138 = vector.multi_reduction <add>, %integer_pow3A_136, %reduce_sum3A_137 [0] : vector<10000x128xf32> to vector<128xf32>
    %div3A_139 = arith.constant 1.000000e+04 : f32
    %div3A_140 = vector.broadcast %div3A_139 : f32 to vector<128xf32>
    %div3A_141 = arith.divf %reduce_sum3A_138, %div3A_140 : vector<128xf32>
    %get3A_142 = arith.constant 2 : index
    %get3A_143 = arith.constant 0 : index
    %get3A_144 = vector.load %arg4[%get3A_142, %get3A_143] : memref<4x128xf32, #tpu.memory_space<vmem>>, vector<1x128xf32>
    %get3A_145 = vector.shape_cast %get3A_144 : vector<1x128xf32> to vector<128xf32>
    %broadcast_in_dim3A_146 = vector.shape_cast %div3A_132 : vector<128xf32> to vector<1x128xf32>
    %sub3A_147 = vector.broadcast %broadcast_in_dim3A_146 : vector<1x128xf32> to vector<10000x128xf32>
    %sub3A_148 = arith.subf %add3A_127, %sub3A_147 : vector<10000x128xf32>
    %broadcast_in_dim3A_149 = vector.shape_cast %get3A_145 : vector<128xf32> to vector<1x128xf32>
    %mul3A_150 = vector.broadcast %broadcast_in_dim3A_149 : vector<1x128xf32> to vector<10000x128xf32>
    %mul3A_151 = arith.mulf %mul3A_150, %sub3A_148 : vector<10000x128xf32>
    %add3A_152 = arith.constant 9.99999974E-6 : f32
    %add3A_153 = vector.broadcast %add3A_152 : f32 to vector<128xf32>
    %add3A_154 = arith.addf %div3A_141, %add3A_153 : vector<128xf32>
    %sqrt3A_155 = math.sqrt %add3A_154 : vector<128xf32>
    %broadcast_in_dim3A_156 = vector.shape_cast %sqrt3A_155 : vector<128xf32> to vector<1x128xf32>
    %div3A_157 = vector.broadcast %broadcast_in_dim3A_156 : vector<1x128xf32> to vector<10000x128xf32>
    %div3A_158 = arith.divf %mul3A_151, %div3A_157 : vector<10000x128xf32>
    %get3A_159 = arith.constant 2 : index
    %get3A_160 = arith.constant 0 : index
    %get3A_161 = vector.load %arg5[%get3A_159, %get3A_160] : memref<4x128xf32, #tpu.memory_space<vmem>>, vector<1x128xf32>
    %get3A_162 = vector.shape_cast %get3A_161 : vector<1x128xf32> to vector<128xf32>
    %broadcast_in_dim3A_163 = vector.shape_cast %get3A_162 : vector<128xf32> to vector<1x128xf32>
    %add3A_164 = vector.broadcast %broadcast_in_dim3A_163 : vector<1x128xf32> to vector<10000x128xf32>
    %add3A_165 = arith.addf %div3A_158, %add3A_164 : vector<10000x128xf32>
    %max3A_166 = arith.constant 0.000000e+00 : f32
    %max3A_167 = vector.broadcast %max3A_166 : f32 to vector<10000x128xf32>
    %max3A_168 = arith.maximumf %add3A_165, %max3A_167 : vector<10000x128xf32>
    %get3A_169 = arith.constant 3 : index
    %get3A_170 = arith.constant 0 : index
    %get3A_171 = arith.constant 0 : index
    %get3A_172 = vector.load %arg2[%get3A_169, %get3A_170, %get3A_171] : memref<5x128x128xf32, #tpu.memory_space<vmem>>, vector<1x128x128xf32>
    %get3A_173 = vector.shape_cast %get3A_172 : vector<1x128x128xf32> to vector<128x128xf32>
    %dot_general3A_174 = arith.constant dense<0.000000e+00> : vector<10000x128xf32>
    %dot_general3A_175 = tpu.matmul %max3A_168, %get3A_173, %dot_general3A_174 {dimension_numbers = #tpu.dot_dimension_numbers<[1], [0], [0], [1], [0, 0, 1, 1], [], []>, transpose_lhs_hint = false} : vector<10000x128xf32>, vector<128x128xf32>, vector<10000x128xf32> -> vector<10000x128xf32>
    %get3A_176 = arith.constant 3 : index
    %get3A_177 = arith.constant 0 : index
    %get3A_178 = vector.load %arg3[%get3A_176, %get3A_177] : memref<5x128xf32, #tpu.memory_space<vmem>>, vector<1x128xf32>
    %get3A_179 = vector.shape_cast %get3A_178 : vector<1x128xf32> to vector<128xf32>
    %broadcast_in_dim3A_180 = vector.shape_cast %get3A_179 : vector<128xf32> to vector<1x128xf32>
    %add3A_181 = vector.broadcast %broadcast_in_dim3A_180 : vector<1x128xf32> to vector<10000x128xf32>
    %add3A_182 = arith.addf %dot_general3A_175, %add3A_181 : vector<10000x128xf32>
    %reduce_sum3A_183 = arith.constant dense<0.000000e+00> : vector<128xf32>
    %reduce_sum3A_184 = vector.multi_reduction <add>, %add3A_182, %reduce_sum3A_183 [0] : vector<10000x128xf32> to vector<128xf32>
    %div3A_185 = arith.constant 1.000000e+04 : f32
    %div3A_186 = vector.broadcast %div3A_185 : f32 to vector<128xf32>
    %div3A_187 = arith.divf %reduce_sum3A_184, %div3A_186 : vector<128xf32>
    %broadcast_in_dim3A_188 = vector.shape_cast %div3A_187 : vector<128xf32> to vector<1x128xf32>
    %sub3A_189 = vector.broadcast %broadcast_in_dim3A_188 : vector<1x128xf32> to vector<10000x128xf32>
    %sub3A_190 = arith.subf %add3A_182, %sub3A_189 : vector<10000x128xf32>
    %integer_pow3A_191 = arith.mulf %sub3A_190, %sub3A_190 : vector<10000x128xf32>
    %reduce_sum3A_192 = arith.constant dense<0.000000e+00> : vector<128xf32>
    %reduce_sum3A_193 = vector.multi_reduction <add>, %integer_pow3A_191, %reduce_sum3A_192 [0] : vector<10000x128xf32> to vector<128xf32>
    %div3A_194 = arith.constant 1.000000e+04 : f32
    %div3A_195 = vector.broadcast %div3A_194 : f32 to vector<128xf32>
    %div3A_196 = arith.divf %reduce_sum3A_193, %div3A_195 : vector<128xf32>
    %get3A_197 = arith.constant 3 : index
    %get3A_198 = arith.constant 0 : index
    %get3A_199 = vector.load %arg4[%get3A_197, %get3A_198] : memref<4x128xf32, #tpu.memory_space<vmem>>, vector<1x128xf32>
    %get3A_200 = vector.shape_cast %get3A_199 : vector<1x128xf32> to vector<128xf32>
    %broadcast_in_dim3A_201 = vector.shape_cast %div3A_187 : vector<128xf32> to vector<1x128xf32>
    %sub3A_202 = vector.broadcast %broadcast_in_dim3A_201 : vector<1x128xf32> to vector<10000x128xf32>
    %sub3A_203 = arith.subf %add3A_182, %sub3A_202 : vector<10000x128xf32>
    %broadcast_in_dim3A_204 = vector.shape_cast %get3A_200 : vector<128xf32> to vector<1x128xf32>
    %mul3A_205 = vector.broadcast %broadcast_in_dim3A_204 : vector<1x128xf32> to vector<10000x128xf32>
    %mul3A_206 = arith.mulf %mul3A_205, %sub3A_203 : vector<10000x128xf32>
    %add3A_207 = arith.constant 9.99999974E-6 : f32
    %add3A_208 = vector.broadcast %add3A_207 : f32 to vector<128xf32>
    %add3A_209 = arith.addf %div3A_196, %add3A_208 : vector<128xf32>
    %sqrt3A_210 = math.sqrt %add3A_209 : vector<128xf32>
    %broadcast_in_dim3A_211 = vector.shape_cast %sqrt3A_210 : vector<128xf32> to vector<1x128xf32>
    %div3A_212 = vector.broadcast %broadcast_in_dim3A_211 : vector<1x128xf32> to vector<10000x128xf32>
    %div3A_213 = arith.divf %mul3A_206, %div3A_212 : vector<10000x128xf32>
    %get3A_214 = arith.constant 3 : index
    %get3A_215 = arith.constant 0 : index
    %get3A_216 = vector.load %arg5[%get3A_214, %get3A_215] : memref<4x128xf32, #tpu.memory_space<vmem>>, vector<1x128xf32>
    %get3A_217 = vector.shape_cast %get3A_216 : vector<1x128xf32> to vector<128xf32>
    %broadcast_in_dim3A_218 = vector.shape_cast %get3A_217 : vector<128xf32> to vector<1x128xf32>
    %add3A_219 = vector.broadcast %broadcast_in_dim3A_218 : vector<1x128xf32> to vector<10000x128xf32>
    %add3A_220 = arith.addf %div3A_213, %add3A_219 : vector<10000x128xf32>
    %max3A_221 = arith.constant 0.000000e+00 : f32
    %max3A_222 = vector.broadcast %max3A_221 : f32 to vector<10000x128xf32>
    %max3A_223 = arith.maximumf %add3A_220, %max3A_222 : vector<10000x128xf32>
    %get3A_224 = arith.constant 4 : index
    %get3A_225 = arith.constant 0 : index
    %get3A_226 = arith.constant 0 : index
    %get3A_227 = vector.load %arg2[%get3A_224, %get3A_225, %get3A_226] : memref<5x128x128xf32, #tpu.memory_space<vmem>>, vector<1x128x128xf32>
    %get3A_228 = vector.shape_cast %get3A_227 : vector<1x128x128xf32> to vector<128x128xf32>
    %dot_general3A_229 = arith.constant dense<0.000000e+00> : vector<10000x128xf32>
    %dot_general3A_230 = tpu.matmul %max3A_223, %get3A_228, %dot_general3A_229 {dimension_numbers = #tpu.dot_dimension_numbers<[1], [0], [0], [1], [0, 0, 1, 1], [], []>, transpose_lhs_hint = false} : vector<10000x128xf32>, vector<128x128xf32>, vector<10000x128xf32> -> vector<10000x128xf32>
    %get3A_231 = arith.constant 4 : index
    %get3A_232 = arith.constant 0 : index
    %get3A_233 = vector.load %arg3[%get3A_231, %get3A_232] : memref<5x128xf32, #tpu.memory_space<vmem>>, vector<1x128xf32>
    %get3A_234 = vector.shape_cast %get3A_233 : vector<1x128xf32> to vector<128xf32>
    %broadcast_in_dim3A_235 = vector.shape_cast %get3A_234 : vector<128xf32> to vector<1x128xf32>
    %add3A_236 = vector.broadcast %broadcast_in_dim3A_235 : vector<1x128xf32> to vector<10000x128xf32>
    %add3A_237 = arith.addf %dot_general3A_230, %add3A_236 : vector<10000x128xf32>
    %swap3A = arith.constant 0 : index
    %swap3A_238 = arith.constant 0 : index
    %swap3A_239 = vector.load %arg6[%swap3A, %swap3A_238] : memref<10000x128xf32, #tpu.memory_space<vmem>>, vector<10000x128xf32>
    tpu.vector_store %arg6[%swap3A, %swap3A_238], %add3A_237 {strides = array<i32>} : memref<10000x128xf32, #tpu.memory_space<vmem>>, vector<10000x128xf32>,
    return
  }
}

</mosaic_0001>

<sc_bundles>
// kernel: kernel.4.cloned.1.call-start
scs
__scs_entry_jumppad:
0x0: {  	(pc) =	sbr.rel $0x88, $3  }
0x1: {  	(tag) =	ssettag $0x0;
	lr =	simm.s32 $0x1  }
0x2: {  	[smem:$0x3F9B] =	sst lr;
	_ =	strace $0xD0000000  }
0x3: {  	_ = 	snop  }
0x4: {  	_ = 	snop  }
0x5: {  	_ = 	snop  }
0x6: {  	_ = 	snop  }
0x7: {  	_ = 	snop  }
__scs_overlays_trampoline_lowered:
0x8: {  	[smem:$0x3FAA] =	sst s0  }
0x9: {  	[smem:$0x3FAB] =	sst s1  }
0xa: {  	[smem:$0x3FAC] =	sst s2  }
0xb: {  	[smem:$0x3FAD] =	sst s3  }
0xc: {  	[smem:$0x3FAE] =	sst s4  }
0xd: {  	[smem:$0x3FAF] =	sst s5  }
0xe: {  	[smem:$0x3FB0] =	sst s6  }
0xf: {  	[smem:$0x3FB1] =	sst s7  }
0x10: {  	[smem:$0x3FB2] =	sst s8  }
0x11: {  	[smem:$0x3FB3] =	sst s9;
	s0 =	simm.s32 @!p0 $0x0  }
0x12: {  	s1 =	sld [smem:$0x3F99];
	s0 =	simm.s32 @p0 $0x1  }
0x13: {  	[smem:$0x3FB4] =	sst s0;
	s0 =	simm.s32 @!p1 $0x0  }
0x14: {  	s2 =	sld [smem:$0x3F98];
	s0 =	simm.s32 @p1 $0x1  }
0x15: {  	[smem:$0x3FB5] =	sst s0;
	s0 =	simm.s32 @!p2 $0x0  }
0x16: {  	s3 =	sld [smem:$0x3FDB];
	s0 =	simm.s32 @p2 $0x1  }
0x17: {  	s4 =	simm.s32 $0x1BF5;
	[smem:$0x3FB7] =	sst s0  }
0x18: {  	s0 =	sld [smem:$0x3F9A];
	_ =	swait.ge [sflag:s4], $0x0  }
0x19: {  	s7 =	sld [smem:$0x3F9B]  }
0x1a: {  	s8 =	sadd.s32 $0xFFFFE003, lr  }
0x1b: {  	s9 =	sadd.s32 $0xFFFFFEF7, lr;
	s5 =	simm.s32 $0xFFFFFFFF;
	p2 =	slt.u32 s8, $0xFFFFF086  }
0x1c: {  	p1 =	slt.u32 s9, $0xF7A;
	s5 =	simm.s32 @!p2 $0x0  }
0x1d: {  	s5 =	simm.s32 @p1 $0x1;
	p0 =	seq.s32 s7, s2  }
0x1e: {  	s7 =	smul.u32 @!p0 $0xF7A, s2;
	p2 =	seq.s32 @!p0 s5, $0x0  }
0x1f: {  	s9 =	smul.u32 $0xF7A, s1;
	s8 =	simm.s32 @!p0 $0x1BF5;
	p2 =	por !p2, p0  }
0x20: {  	[sflag:s8] =	ssyncset.s32 @!p0 $0xFFFFF086;
	s6 =	sadd.s32 @!p0 s3, s7;
	s7 =	simm.s32 @!p0 $0x108  }
0x21: {  	s3 =	sadd.s32 s3, s9;
	s6 =	sadd.s32 @!p0 $0x88, s6;
	s7 =	simm.s32 @p2 $0x1082  }
0x22: {  	[simem:s7], [sflag:s8] =	dma.local @!p0 [hbm:s6], $0xF7A  }
0x23: {  	s9 =	sor.u32 $0xD0000000, s2;
	s6 =	simm.s32 $0x108;
	_ =	swait.ge @!p0 [sflag:s8], $0x0  }
0x24: {  	s3 =	sadd.s32 $0x88, s3;
	s6 =	simm.s32 @!p1 $0x1082;
	[sflag:s4] =	ssyncset.s32 $0xFFFFF086  }
0x25: {  	[simem:s6], [sflag:s4] =	dma.local [hbm:s3], $0xF7A  }
0x26: {  	[smem:$0x3F9B] =	sst s1;
	(tag) =	ssettag s2;
	_ =	strace s9  }
0x27: {  	s1 =	sld [smem:$0x3FAB]  }
0x28: {  	s2 =	sld [smem:$0x3FAC]  }
0x29: {  	s4 =	sld [smem:$0x3FAE]  }
0x2a: {  	p0 =	seq.s32 s5, $0x0;
	s5 =	sld [smem:$0x3FAF]  }
0x2b: {  	s6 =	sld [smem:$0x3FB0]  }
0x2c: {  	s7 =	sld [smem:$0x3FB1]  }
0x2d: {  	s3 =	simm.s32 $0x108;
	s8 =	sld [smem:$0x3FB2]  }
0x2e: {  	s3 =	simm.s32 @!p0 $0x1082;
	s9 =	sld [smem:$0x3FB3]  }
0x2f: {  	lr =	sadd.s32 s0, s3;
	s0 =	sld [smem:$0x3FAA]  }
0x30: {  	s3 =	sld [smem:$0x3FAD]  }
0x31: {  	[smem:$0x3FB6] =	sst s10  }
0x32: {  	s10 =	sld [smem:$0x3FB4];
	_ =	sdelay $0x3  }
0x33: {  	p0 =	seq.s32 s10, $0x1;
	s10 =	sld [smem:$0x3FB6];
	_ =	sdelay $0x3  }
0x34: {  	[smem:$0x3FB6] =	sst s10  }
0x35: {  	s10 =	sld [smem:$0x3FB5];
	_ =	sdelay $0x3  }
0x36: {  	p1 =	seq.s32 s10, $0x1;
	s10 =	sld [smem:$0x3FB6];
	_ =	sdelay $0x3  }
0x37: {  	[smem:$0x3FB6] =	sst s10  }
0x38: {  	s10 =	sld [smem:$0x3FB7]  }
0x39: {  	_ = 	snop;
	(pc) =	sbr.ind lr, $3  }
0x3a: {  	_ = 	snop  }
0x3b: {  	_ = 	snop  }
0x3c: {  	p2 =	seq.s32 s10, $0x1;
	s10 =	sld [smem:$0x3FB6]  }
0x3d: {  	_ =	shalt  }
0x3e: {  	_ =	shalt  }
0x3f: {  	_ =	shalt  }
0x40: {  	_ =	shalt  }
0x41: {  	_ =	shalt  }
0x42: {  	_ =	shalt  }
0x43: {  	_ =	shalt  }
0x44: {  	_ =	shalt  }
0x45: {  	_ =	shalt  }
0x46: {  	_ =	shalt  }
0x47: {  	_ =	shalt  }
0x48: {  	_ =	shalt  }
0x49: {  	_ =	shalt  }
0x4a: {  	_ =	shalt  }
0x4b: {  	_ =	shalt  }
0x4c: {  	_ =	shalt  }
0x4d: {  	_ =	shalt  }
0x4e: {  	_ =	shalt  }
0x4f: {  	_ =	shalt  }
0x50: {  	_ =	shalt  }
0x51: {  	_ =	shalt  }
0x52: {  	_ =	shalt  }
0x53: {  	_ =	shalt  }
0x54: {  	_ =	shalt  }
0x55: {  	_ =	shalt  }
0x56: {  	_ =	shalt  }
0x57: {  	_ =	shalt  }
0x58: {  	_ =	shalt  }
0x59: {  	_ =	shalt  }
0x5a: {  	_ =	shalt  }
0x5b: {  	_ =	shalt  }
0x5c: {  	_ =	shalt  }
0x5d: {  	_ =	shalt  }
0x5e: {  	_ =	shalt  }
0x5f: {  	_ =	shalt  }
0x60: {  	_ =	shalt  }
0x61: {  	_ =	shalt  }
0x62: {  	_ =	shalt  }
0x63: {  	_ =	shalt  }
0x64: {  	_ =	shalt  }
0x65: {  	_ =	shalt  }
0x66: {  	_ =	shalt  }
0x67: {  	_ =	shalt  }
0x68: {  	_ =	shalt  }
0x69: {  	_ =	shalt  }
0x6a: {  	_ =	shalt  }
0x6b: {  	_ =	shalt  }
0x6c: {  	_ =	shalt  }
0x6d: {  	_ =	shalt  }
0x6e: {  	_ =	shalt  }
0x6f: {  	_ =	shalt  }
0x70: {  	_ =	shalt  }
0x71: {  	_ =	shalt  }
0x72: {  	_ =	shalt  }
0x73: {  	_ =	shalt  }
0x74: {  	_ =	shalt  }
0x75: {  	_ =	shalt  }
0x76: {  	_ =	shalt  }
0x77: {  	_ =	shalt  }
0x78: {  	_ =	shalt  }
0x79: {  	_ =	shalt  }
0x7a: {  	_ =	shalt  }
0x7b: {  	_ =	shalt  }
0x7c: {  	_ =	shalt  }
0x7d: {  	_ =	shalt  }
0x7e: {  	_ =	shalt  }
0x7f: {  	_ =	shalt  }
0x80: {  	_ =	shalt  }
0x81: {  	_ =	shalt  }
0x82: {  	_ =	shalt  }
0x83: {  	_ =	shalt  }
0x84: {  	_ =	shalt  }
0x85: {  	_ =	shalt  }
0x86: {  	_ =	shalt  }
0x87: {  	_ =	shalt  }
.Lfunc_end0:
.L_simem_size_0:
called_computation_lowered:
.L_overlay_start_0:
0x88: {  	s2 =	sld [smem:$0x3FD9]  }
0x89: {  	s3 =	sld [smem:$0x3FFE];
	_ =	sdelay $0x1  }
0x8a: {  	s1 =	srdreg.scid  }
0x8b: {  	s0 =	sand.u32 $0x1, s1  }
0x8c: {  	s17 =	sshll.u32 s0, $0xA;
	s2 =	sadd.s32 s3, s2  }
0x8d: {  	s2 =	sadd.s32 s2, s17  }
0x8e: {  	[smem:$0x3FC2] =	sst s2  }
0x8f: {  	_ = 	snop  }
0x90: {  	s2 =	sld [smem:$0x3FC9]  }
0x91: {  	s18 =	sld [smem:$0x3FD0];
	(tm) =	ssettm $0x1  }
0x92: {  	s4 =	sld [smem:$0x3FFB];
	_ =	sdelay $0x3  }
0x93: {  	_ =	strace s4  }
0x94: {  	s4 =	sld [smem:$0x3FFC];
	_ =	sdelay $0x3  }
0x95: {  	_ =	strace s4  }
0x96: {  	s4 =	sld [smem:$0x3FFD];
	_ =	sdelay $0x3  }
0x97: {  	_ =	strace s4  }
0x98: {  	_ =	strace $0x8FFFFFFF  }
0x99: {  	s19 =	sld [smem:$0x3FDB];
	_ =	sdelay $0x1  }
0x9a: {  	s5 =	simm.s32 $_scs_section_size  }
0x9b: {  	s6 =	simm.s32 $_size__tile_overlayer_lowered;
	s7 =	simm.s32 $_tile_overlayer_lowered  }
0x9c: {  	s22 =	simm.s32 $0x1BFF;
	s21 =	sshll.u32 s7, $0x1;
	s4 =	sadd.s32 s5, s19  }
0x9d: {  	s8 =	simm.s32 $0x0;
	s20 =	sshll.u32 s6, $0x1;
	s6 =	sadd.s32 s21, s4  }
0x9e: {  	[timem:s8], [sflag:s22] =	dma.local [hbm:s6], s20  }
0x9f: {  	_ =	swait.ge [sflag:s22], s20  }
0xa0: {  	s5 =	ssub.s32 $0x0, s20;
	[sflag:s22] =	ssyncset.done $0x0  }
0xa1: {  	[sflag:s22] =	ssyncadd.s32 s5;
	_ =	sdelay $0x1  }
0xa2: {  	s23 =	simm.s32 $0x1B8B  }
0xa3: {  	_ =	swait.ge [sflag:s23], $0x1  }
0xa4: {  	[sflag:s23] =	ssyncset.done $0x0  }
0xa5: {  	s25 =	simm.s32 $0x1B8E;
	s24 =	sld [smem:$0x3FFE];
	[sflag:s23] =	ssyncadd.s32 $0xFFFFFFFF  }
0xa6: {  	s26 =	simm.s32 $execute0_lowered;
	[smem:$0x3FD2] =	sst s25  }
0xa7: {  	s6 =	sshll.u32 s26, $0x1;
	_ =	strace $0x80000046;
	[dreg:$0x1] =	wrdreg $0xFFFFFFFF  }
0xa8: {  	s28 =	simm.s32 $_size_execute0_lowered;
	s4 =	sadd.s32 s4, s6;
	[dreg:$0x0] =	wrdreg $0x0  }
0xa9: {  	s6 =	sshll.u32 s28, $0x1;
	[dreg:$0x2] =	wrdreg s4  }
0xaa: {  	[dreg:$0x3] =	wrdreg s6  }
0xab: {  	[dreg:$0x4] =	wrdreg $0xC0  }
0xac: {  	_ =	task [dreg:s8], $0x5FFFF  }
0xad: {  	[dreg:$0x1] =	wrdreg $0xFFFFFFFF  }
0xae: {  	[dreg:$0x0] =	wrdreg $0x60  }
0xaf: {  	[dreg:$0x2] =	wrdreg s2  }
0xb0: {  	[dreg:$0x3] =	wrdreg s18  }
0xb1: {  	[dreg:$0x4] =	wrdreg s24  }
0xb2: {  	[dreg:$0x5] =	wrdreg $0xC7000  }
0xb3: {  	[dreg:$0x6] =	wrdreg $0x9  }
0xb4: {  	_ =	task.clear_ibuf [dreg:s8], $0x7FFFF;
	_ =	strace $0x90000046  }
0xb5: {  	s29 =	simm.s32 $0x9;
	_ =	strace $0x80000048  }
0xb6: {  	_ =	swait.ge [sflag:s29], $0x1  }
0xb7: {  	[sflag:s29] =	ssyncadd.s32 $0xFFFFFFFF  }
0xb8: {  	_ =	strace $0x90000048  }
0xb9: {  	_ =	sfence  }
0xba: {  	s30 =	sld [smem:$0x0];
	_ =	sdelay $0x2  }
0xbb: {  	s31 =	sshll.u32 s1, $0xD;
	s1 =	sshrl.u32 s1, $0x2  }
0xbc: {  	s3 =	sand.u32 $0x4000, s31;
	s1 =	sadd.s32 s1, s30  }
0xbd: {  	s0 =	sor.u32 s3, s0;
	s1 =	sshll.u32 s1, $0x11  }
0xbe: {  	s0 =	sor.u32 s1, s0  }
0xbf: {  	s0 =	sadd.s32 $0x8F2B, s0  }
0xc0: {  	[sflag:s0] =	ssyncadd.remote.s32 $0x1  }
0xc1: {  	_ =	sfence.sel $0xFFFF  }
0xc2: {  	[dreg:$0x0] =	wrdreg $0xFFFFFFFF;
	(pc) =	sbr.abs _section_cstart, $3  }
0xc3: {  	[dreg:$0x1] =	wrdreg $0xFFFFFFFF  }
0xc4: {  	_ =	task.clear_ibuf [dreg:s8], $0x2FFFF;
	_ =	strace $0x9FFFFFFF  }
0xc5: {  	(tm) =	ssettm $0x7FFFFFFF  }
tec
execute0_lowered:
.L_overlay_start_1:
0x0: {  	(tag) =	ssettag $0x1  }
0x1: {  	s1 =	rddreg [dreg:$0x0]  }
0x2: {  	s0 =	rddreg [dreg:$0x1]  }
0x3: {  	s3 =	rddreg [dreg:$0x2]  }
0x4: {  	s2 =	rddreg [dreg:$0x3]  }
0x5: {  	s4 =	simm.s32 $0x0;
	s5 =	srdreg.scid;
	s14 =	stileid.u32  }
0x6: {  	s15 =	simm.s32 $0x2780;
	s16 =	simm.s32 $0x50;
	s17 =	simm.s32 $0x4F00  }
0x7: {  	s18 =	simm.s32 $0x7700;
	s19 =	simm.s32 $0x1;
	s29 =	simm.s32 $0x5  }
0x8: {  	s30 =	simm.s32 $0x140;
	s31 =	simm.s32 $0x6;
	s20 =	simm.s32 $0x0  }
0x9: {  	[smem:$0x7FF] =	sst s4;
	s6 =	sand.u32 $0x1, s5;
	s21 =	sshll.u32 s14, $0x1  }
0xa: {  	s9 =	smul.u32 $0x4F000, s14;
	s5 =	sadd.s32 $0x1600, s3;
	s3 =	sadd.s32 $0x3E00, s3  }
0xb: {  	s24 =	smul.u32 $0x13C00, s14;
	s12 =	sadd.s32 $0x128400, s2;
	p0 =	seq.s32 s14, $0xF  }
0xc: {  	_ =	strace $0x80000047;
	s7 =	ssub.s32 $0x2, s6;
	s8 =	sor.u32 s6, s21  }
0xd: {  	s11 =	smul.u32 $0x138800, s6;
	s21 =	simm.s32 $0x9F00;
	s10 =	sshrl.u32 s7, $0x1  }
0xe: {  	s8 =	smul.u32 $0x2710, s8;
	s22 =	sshrl.u32 s9, $0x2;
	s10 =	ssub.s32 s7, s10  }
0xf: {  	s13 =	sadd.s32 s22, s2;
	s25 =	sadd.s32 s24, s11;
	s26 =	sshrl.u32 s11, $0x3  }
0x10: {  	s11 =	sshrl.u32 @p0 s12, $0x3;
	s22 =	simm.s32 $0x2;
	s24 =	simm.s32 $0x4  }
0x11: {  	s23 =	sshrl.u32 s8, $0x3;
	s28 =	sadd.s32 s3, s26;
	s10 =	smax.u32 s10, $0x1  }
0x12: {  	s13 =	sshrl.u32 @!p0 s13, $0x3;
	s26 =	simm.s32 $0x3;
	s6 =	sadd.s32 s0, s23  }
0x13: {  	s0 =	sshrl.u32 s25, $0x3;
	s9 =	sadd.s32 $0x25080, s28;
	s7 =	sadd.s32 $0x9C40, s6  }
0x14: {  	s8 =	sadd.s32 s3, s0;
	s0 =	sshll.u32 @!p0 s14, $0x6;
	s14 =	simm.s32 $0x7  }
0x15: {  	s3 =	simm.s32 $0x4E40;
	s12 =	sor.u32 @!p0 $0x1C07, s0;
	s0 =	simm.s32 $0x4DF0  }
.LBB2_1:
0x16: {  	s23 =	simm.s32 @p0 $0x1FC7  }
0x17: {  	[spmem:s11], [sflag:s23] =	dma.local @p0 [hbm:s5], $0x2080  }
0x18: {  	s23 =	simm.s32 @p0 $0x7  }
0x19: {  	_ =	swait.ge @p0 [sflag:s23], $0x2080  }
0x1a: {  	[sflag:s23] =	ssyncset.done @p0 $0x0  }
0x1b: {  	[sflag:s23] =	ssyncadd.s32 @p0 $0xFFFFDF80;
	s23 =	simm.s32 @!p0 $0x7  }
0x1c: {  	[spmem:s13], [sflag:s12] =	dma.local @!p0 [hbm:s5], $0x2780  }
0x1d: {  	_ =	swait.ge @!p0 [sflag:s23], $0x2780  }
0x1e: {  	[sflag:s23] =	ssyncset.done @!p0 $0x0  }
0x1f: {  	[sflag:s23] =	ssyncadd.s32 @!p0 $0xFFFFD880  }
0x20: {  	[bflag:$0x0] =	sbarrier.arrive $0xFFFF  }
0x21: {  	[tilespmem:s4], [sflag:$0x7] =	stream.linear.gather [hbm4b:s6+s4], $0x2710, $0x38;
	[tilespmem:$0x1FF80] =	vst v63  }
0x22: {  	_ =	swait.ge [sflag:s14], $0x2710  }
0x23: {  	[sflag:s14] =	ssyncset.done $0x0  }
0x24: {  	[sflag:s14] =	ssyncadd.s32 $0xFFFFD8F0  }
0x25: {  	[tilespmem:s15], [sflag:$0x7] =	stream.linear.gather [hbm4b:s7+s4], $0x2710, $0x38;
	[tilespmem:$0x1FF80] =	vst v63  }
0x26: {  	_ =	swait.ge [sflag:s14], $0x2710  }
0x27: {  	[sflag:s14] =	ssyncset.done $0x0  }
0x28: {  	[sflag:s14] =	ssyncadd.s32 $0xFFFFD8F0  }
0x29: {  	[tilespmem:s17], [sflag:$0x1] =	stream.indirect.gather [hbm4b:s1+s16], $0x80, s4, s16, $0xb8;
	[tilespmem:$0x1FF80] =	vst v63  }
0x2a: {  	_ = 	snop  }
0x2b: {  	[tilespmem:s18], [sflag:$0x2] =	stream.indirect.gather [hbm4b:s1+s16], $0x80, s16, s16, $0xb8;
	[tilespmem:$0x1FF80] =	vst v63  }
0x2c: {  	_ =	swait.ge [sflag:s19], $0x2800  }
0x2d: {  	[sflag:s19] =	ssyncset.done $0x0  }
0x2e: {  	[sflag:s19] =	ssyncadd.s32 $0xFFFFD800  }
0x2f: {  	[spmem:s2] =	stream.indirect.scatter.add.f32 [tilespmem:s17], [sflag:$0x4], $0x80, s15, s16, $0xb8;
	[tilespmem:$0x1FF80] =	vst v63  }
0x30: {  	s28 =	simm.s32 $0xA0  }
0x31: {  	[tilespmem:s21], [sflag:$0x3] =	stream.indirect.gather [hbm4b:s1+s16], $0x80, s28, s16, $0xb8;
	[tilespmem:$0x1FF80] =	vst v63  }
0x32: {  	_ =	swait.ge [sflag:s22], $0x2800  }
0x33: {  	[sflag:s22] =	ssyncset.done $0x0  }
0x34: {  	s25 =	simm.s32 $0x27D0;
	[sflag:s22] =	ssyncadd.s32 $0xFFFFD800  }
0x35: {  	[spmem:s2] =	stream.indirect.scatter.add.f32 [tilespmem:s18], [sflag:$0x5], $0x80, s25, s16, $0xb8;
	[tilespmem:$0x1FF80] =	vst v63  }
0x36: {  	_ =	swait.ge [sflag:s24], $0x2800  }
0x37: {  	[sflag:s24] =	ssyncset.done $0x0  }
0x38: {  	s28 =	simm.s32 $0xF0;
	[sflag:s24] =	ssyncadd.s32 $0xFFFFD800  }
0x39: {  	[tilespmem:s17], [sflag:$0x1] =	stream.indirect.gather [hbm4b:s1+s16], $0x80, s28, s16, $0xb8;
	[tilespmem:$0x1FF80] =	vst v63  }
0x3a: {  	_ =	swait.ge [sflag:s26], $0x2800  }
0x3b: {  	[sflag:s26] =	ssyncset.done $0x0  }
0x3c: {  	s25 =	simm.s32 $0x2820;
	[sflag:s26] =	ssyncadd.s32 $0xFFFFD800  }
0x3d: {  	[spmem:s2] =	stream.indirect.scatter.add.f32 [tilespmem:s21], [sflag:$0x6], $0x80, s25, s16, $0xb8;
	[tilespmem:$0x1FF80] =	vst v63  }
0x3e: {  	_ =	swait.ge [sflag:s29], $0x2800  }
0x3f: {  	[sflag:s29] =	ssyncset.done $0x0  }
0x40: {  	[sflag:s29] =	ssyncadd.s32 $0xFFFFD800  }
0x41: {  	[tilespmem:s18], [sflag:$0x2] =	stream.indirect.gather [hbm4b:s1+s16], $0x80, s30, s16, $0xb8;
	[tilespmem:$0x1FF80] =	vst v63  }
0x42: {  	_ =	swait.ge [sflag:s19], $0x2800  }
0x43: {  	[sflag:s19] =	ssyncset.done $0x0  }
0x44: {  	s28 =	simm.s32 $0x2870;
	[sflag:s19] =	ssyncadd.s32 $0xFFFFD800  }
0x45: {  	[spmem:s2] =	stream.indirect.scatter.add.f32 [tilespmem:s17], [sflag:$0x4], $0x80, s28, s16, $0xb8;
	[tilespmem:$0x1FF80] =	vst v63  }
0x46: {  	_ =	swait.ge [sflag:s31], $0x2800  }
0x47: {  	[sflag:s31] =	ssyncset.done $0x0  }
0x48: {  	s25 =	simm.s32 $0x190;
	[sflag:s31] =	ssyncadd.s32 $0xFFFFD800  }
0x49: {  	[tilespmem:s21], [sflag:$0x3] =	stream.indirect.gather [hbm4b:s1+s16], $0x80, s25, s16, $0xb8;
	[tilespmem:$0x1FF80] =	vst v63  }
0x4a: {  	_ =	swait.ge [sflag:s22], $0x2800  }
0x4b: {  	[sflag:s22] =	ssyncset.done $0x0  }
0x4c: {  	s28 =	simm.s32 $0x28C0;
	[sflag:s22] =	ssyncadd.s32 $0xFFFFD800  }
0x4d: {  	[spmem:s2] =	stream.indirect.scatter.add.f32 [tilespmem:s18], [sflag:$0x5], $0x80, s28, s16, $0xb8;
	[tilespmem:$0x1FF80] =	vst v63  }
0x4e: {  	_ =	swait.ge [sflag:s24], $0x2800  }
0x4f: {  	[sflag:s24] =	ssyncset.done $0x0  }
0x50: {  	s25 =	simm.s32 $0x1E0;
	[sflag:s24] =	ssyncadd.s32 $0xFFFFD800  }
0x51: {  	[tilespmem:s17], [sflag:$0x1] =	stream.indirect.gather [hbm4b:s1+s16], $0x80, s25, s16, $0xb8;
	[tilespmem:$0x1FF80] =	vst v63  }
0x52: {  	_ =	swait.ge [sflag:s26], $0x2800  }
0x53: {  	[sflag:s26] =	ssyncset.done $0x0  }
0x54: {  	s28 =	simm.s32 $0x2910;
	[sflag:s26] =	ssyncadd.s32 $0xFFFFD800  }
0x55: {  	[spmem:s2] =	stream.indirect.scatter.add.f32 [tilespmem:s21], [sflag:$0x6], $0x80, s28, s16, $0xb8;
	[tilespmem:$0x1FF80] =	vst v63  }
0x56: {  	_ =	swait.ge [sflag:s29], $0x2800  }
0x57: {  	[sflag:s29] =	ssyncset.done $0x0  }
0x58: {  	s23 =	simm.s32 $0x3C0;
	s25 =	simm.s32 $0x230;
	[sflag:s29] =	ssyncadd.s32 $0xFFFFD800  }
.LBB2_2:
0x59: {  	[tilespmem:s18], [sflag:$0x2] =	stream.indirect.gather [hbm4b:s1+s16], $0x80, s25, s16, $0xb8;
	[tilespmem:$0x1FF80] =	vst v63  }
0x5a: {  	s25 =	smov.u32 s23  }
0x5b: {  	p1 =	sne.s32 s23, $0x9240;
	s23 =	sadd.s32 $0x3C0, s23;
	_ =	swait.ge [sflag:s19], $0x2800  }
0x5c: {  	s25 =	sshra.s32 s25, $0x2;
	[sflag:s19] =	ssyncset.done $0x0  }
0x5d: {  	s28 =	sadd.s32 $0x2870, s25;
	[sflag:s19] =	ssyncadd.s32 $0xFFFFD800  }
0x5e: {  	[spmem:s2] =	stream.indirect.scatter.add.f32 [tilespmem:s17], [sflag:$0x4], $0x80, s28, s16, $0xb8;
	[tilespmem:$0x1FF80] =	vst v63  }
0x5f: {  	_ =	swait.ge [sflag:s31], $0x2800  }
0x60: {  	[sflag:s31] =	ssyncset.done $0x0  }
0x61: {  	s28 =	sadd.s32 $0x190, s25;
	[sflag:s31] =	ssyncadd.s32 $0xFFFFD800  }
0x62: {  	[tilespmem:s21], [sflag:$0x3] =	stream.indirect.gather [hbm4b:s1+s16], $0x80, s28, s16, $0xb8;
	[tilespmem:$0x1FF80] =	vst v63  }
0x63: {  	_ =	swait.ge [sflag:s22], $0x2800  }
0x64: {  	[sflag:s22] =	ssyncset.done $0x0  }
0x65: {  	s28 =	sadd.s32 $0x28C0, s25;
	[sflag:s22] =	ssyncadd.s32 $0xFFFFD800  }
0x66: {  	[spmem:s2] =	stream.indirect.scatter.add.f32 [tilespmem:s18], [sflag:$0x5], $0x80, s28, s16, $0xb8;
	[tilespmem:$0x1FF80] =	vst v63  }
0x67: {  	_ =	swait.ge [sflag:s24], $0x2800  }
0x68: {  	[sflag:s24] =	ssyncset.done $0x0  }
0x69: {  	s28 =	sadd.s32 $0x1E0, s25;
	[sflag:s24] =	ssyncadd.s32 $0xFFFFD800  }
0x6a: {  	[tilespmem:s17], [sflag:$0x1] =	stream.indirect.gather [hbm4b:s1+s16], $0x80, s28, s16, $0xb8;
	[tilespmem:$0x1FF80] =	vst v63  }
0x6b: {  	_ =	swait.ge [sflag:s26], $0x2800  }
0x6c: {  	[sflag:s26] =	ssyncset.done $0x0  }
.Ltmp0:
0x6d: {  	s28 =	sadd.s32 $0x2910, s25;
	[sflag:s26] =	ssyncadd.s32 $0xFFFFD800;
	(pc) =	sbr.rel @p1 .LBB2_2-.Ltmp0, $4  }
0x6e: {  	[spmem:s2] =	stream.indirect.scatter.add.f32 [tilespmem:s21], [sflag:$0x6], $0x80, s28, s16, $0xb8;
	[tilespmem:$0x1FF80] =	vst v63  }
0x6f: {  	_ =	swait.ge [sflag:s29], $0x2800  }
0x70: {  	[sflag:s29] =	ssyncset.done $0x0  }
0x71: {  	s25 =	sadd.s32 $0x230, s25;
	[sflag:s29] =	ssyncadd.s32 $0xFFFFD800  }
0x72: {  	[tilespmem:s18], [sflag:$0x2] =	stream.indirect.gather [hbm4b:s1+s16], $0x80, s25, s16, $0xb8;
	[tilespmem:$0x1FF80] =	vst v63  }
0x73: {  	_ =	swait.ge [sflag:s19], $0x2800  }
0x74: {  	[sflag:s19] =	ssyncset.done $0x0  }
0x75: {  	[sflag:s19] =	ssyncadd.s32 $0xFFFFD800  }
0x76: {  	[spmem:s2] =	stream.indirect.scatter.add.f32 [tilespmem:s17], [sflag:$0x4], $0x80, s0, s16, $0xb8;
	[tilespmem:$0x1FF80] =	vst v63  }
0x77: {  	_ =	swait.ge [sflag:s31], $0x2800  }
0x78: {  	[sflag:s31] =	ssyncset.done $0x0  }
0x79: {  	[sflag:s31] =	ssyncadd.s32 $0xFFFFD800  }
0x7a: {  	_ =	swait.ge [sflag:s22], $0x2800  }
0x7b: {  	[sflag:s22] =	ssyncset.done $0x0  }
0x7c: {  	[sflag:s22] =	ssyncadd.s32 $0xFFFFD800  }
0x7d: {  	[spmem:s2] =	stream.indirect.scatter.add.f32 [tilespmem:s18], [sflag:$0x5], $0x80, s3, s16, $0xb8;
	[tilespmem:$0x1FF80] =	vst v63  }
0x7e: {  	_ =	swait.ge [sflag:s24], $0x2800  }
0x7f: {  	[sflag:s24] =	ssyncset.done $0x0  }
0x80: {  	[sflag:s24] =	ssyncadd.s32 $0xFFFFD800  }
0x81: {  	_ =	swait.ge [sflag:s29], $0x2800  }
0x82: {  	[sflag:s29] =	ssyncset.done $0x0  }
0x83: {  	[sflag:s29] =	ssyncadd.s32 $0xFFFFD800  }
0x84: {  	s23 =	simm.s32 @p0 $0x1FC7;
	[bflag:$0x0] =	sbarrier.arrive $0xFFFF  }
0x85: {  	[hbm:s9], [sflag:s23] =	dma.local @p0 [spmem:s11], $0x2080  }
0x86: {  	s23 =	simm.s32 @p0 $0x7  }
0x87: {  	s20 =	sadd.s32 $0x1, s20;
	_ =	swait.ge @p0 [sflag:s23], $0x2080  }
0x88: {  	p1 =	sne.s32 s20, s10;
	[sflag:s23] =	ssyncset.done @p0 $0x0  }
.Ltmp1:
0x89: {  	[sflag:s23] =	ssyncadd.s32 @p0 $0xFFFFDF80;
	s23 =	simm.s32 @!p0 $0x7;
	(pc) =	sbr.rel @p1 .LBB2_1-.Ltmp1, $4  }
0x8a: {  	[hbm:s8], [sflag:s12] =	dma.local @!p0 [spmem:s13], $0x2780  }
0x8b: {  	_ =	swait.ge @!p0 [sflag:s23], $0x2780  }
0x8c: {  	[sflag:s23] =	ssyncset.done @!p0 $0x0  }
0x8d: {  	[sflag:s23] =	ssyncadd.s32 @!p0 $0xFFFFD880  }
0x8e: {  	_ =	sfence.sel $0x180000  }
0x8f: {  	[bflag:$0x0] =	sbarrier.arrive $0xFFFF  }
0x90: {  	_ =	strace $0x90000047  }
0x91: {  	s0 =	stileid.u32;
	[bflag:$0x2] =	sbarrier.arrive $0xFFFF  }
0x92: {  	p0 =	sne.s32 s0, $0x0;
	s0 =	rddreg [dreg:$0x4]  }
0x93: {  	s0 =	sadd.s32 @!p0 $0x100000, s0  }
0x94: {  	[sflag:s0] =	ssyncadd.tile.s32 @!p0 $0x1;
	_ =	shalt  }
.Lfunc_end2:
_tile_overlayer_lowered:
.L_overlay_start_2:
0x95: {  	(tag) =	ssettag $0x2  }
0x96: {  	s0 =	rddreg [dreg:$0x0];
	s2 =	stileid.u32  }
0x97: {  	s1 =	rddreg [dreg:$0x1];
	p0 =	sne.s32 s2, $0x0  }
0x98: {  	s3 =	rddreg [dreg:$0x2];
	[bflag:$0x3] =	sbarrier.arrive $0xFFFF;
	s2 =	simm.s32 @!p0 $0x1C07  }
0x99: {  	[timem:s3], [sflag:s2] =	dma.local @!p0 [hbm:s0], s1  }
0x9a: {  	s0 =	simm.s32 @!p0 $0x7  }
0x9b: {  	_ =	swait.ge @!p0 [sflag:s0], s1  }
0x9c: {  	s1 =	ssub.s32 @!p0 $0x0, s1;
	[sflag:s0] =	ssyncset.done @!p0 $0x0  }
0x9d: {  	[sflag:s0] =	ssyncadd.s32 @!p0 s1  }
0x9e: {  	[bflag:$0x3] =	sbarrier.arrive $0xFFFF  }
0x9f: {  	_ =	shalt  }

</sc_bundles>
